<compile_context>
chip_gen: v7x
topology: tpu7x:2x2x1
jax: 0.10.2.dev20260603
libtpu: 0.0.44.dev20260713+nightly
codegen_flags: <defaults>
</compile_context>

<pallas_src>
import functools

import jax
import jax.numpy as jnp
from jax import lax
from jax.experimental import pallas as pl
from jax.experimental.pallas import tpu as pltpu
from jax.experimental.pallas import tpu_sc as plsc

NUM_ATOMIC = 119
DIM = 128
NC, NS = 2, 16
NW = NC * NS

CHUNK = 128
NBUF = 4
SB = 80


@functools.partial(jax.jit, static_argnames=("b_total",))
def _sc_embed(idx2d, table, b_total):
    b_per_w = b_total // NW
    n_chunks = b_per_w // CHUNK
    n_sb = n_chunks // SB
    rows_per_w = b_per_w // 128

    mesh = plsc.VectorSubcoreMesh(core_axis_name="c", subcore_axis_name="s")

    @functools.partial(
        pl.kernel,
        mesh=mesh,
        out_type=jax.ShapeDtypeStruct((b_total, DIM), jnp.float32),
        scratch_types=[
            pltpu.VMEM((2, SB, 128), jnp.int32),
            pltpu.VMEM((NBUF, CHUNK, DIM), jnp.float32),
            pltpu.VMEM_SHARED((NUM_ATOMIC, DIM), jnp.float32),
            [pltpu.SemaphoreType.DMA] * NBUF,
            pltpu.SemaphoreType.DMA,
        ],
    )
    def k(idx_hbm, table_hbm, out_hbm, idx_sb, rows_v, table_sp, ssem, isem):
        wid = lax.axis_index("s") * NC + lax.axis_index("c")
        row_base = wid * rows_per_w
        tok_base = wid * b_per_w

        @pl.when(lax.axis_index("s") == 0)
        def _():
            pltpu.sync_copy(table_hbm, table_sp)

        plsc.subcore_barrier()

        def idx_copy(sb, sbuf):
            return pltpu.make_async_copy(
                idx_hbm.at[pl.ds(row_base + sb * SB, SB)], idx_sb.at[sbuf], isem
            )

        def gather_copy(c, b, sbuf):
            return pltpu.make_async_copy(
                table_sp.at[idx_sb.at[sbuf, c]], rows_v.at[b], ssem[b]
            )

        def scatter_copy(g, b):
            return pltpu.make_async_copy(
                rows_v.at[b], out_hbm.at[pl.ds(tok_base + g * CHUNK, CHUNK)], ssem[b]
            )

        idx_copy(0, 0).start()
        idx_copy(0, 0).wait()

        def run_sb(sb, sbuf):
            gbase = sb * SB

            @pl.when(sb + 1 < n_sb)
            def _():
                idx_copy(sb + 1, 1 - sbuf).start()

            gather_copy(0, 0, sbuf).start()
            gather_copy(1, 1, sbuf).start()

            def body(q, carry):
                for b in range(NBUF):
                    c = q * NBUF + b
                    gather_copy(c, b, sbuf).wait()
                    scatter_copy(gbase + c, b).start()
                    nxt = c + 2
                    bn = (b + 2) % NBUF

                    @pl.when(nxt < SB)
                    def _():
                        @pl.when(nxt >= NBUF)
                        def _():
                            scatter_copy(gbase + nxt - NBUF, bn).wait()

                        gather_copy(nxt, bn, sbuf).start()

                return carry

            lax.fori_loop(0, SB // NBUF, body, 0)
            for b in range(NBUF):
                scatter_copy(gbase + SB - NBUF + b, b).wait()

            @pl.when(sb + 1 < n_sb)
            def _():
                idx_copy(sb + 1, 1 - sbuf).wait()

        def outer(sp, carry):
            run_sb(sp * 2, 0)
            run_sb(sp * 2 + 1, 1)
            return carry

        lax.fori_loop(0, n_sb // 2, outer, 0)

    return k(idx2d, table)


def kernel(tokens, table):
    b, t = tokens.shape
    b_total = b * t
    idx2d = tokens.reshape(b_total // 128, 128).astype(jnp.int32)
    out = _sc_embed(idx2d, table, b_total)
    return out.reshape(b, t, DIM)

# --- scband reference (transcript-rebuilt; emitter-appended) ---
"""Pipeline reference for scband-atomic-embedding-18674517803111 (READ-ONLY COPY).

The authoritative reference and input builder live on the scoring server;
editing this copy changes nothing except your own understanding.
"""

import jax, jax.numpy as jnp
import numpy as np

NUM_ATOMIC = 119
DIM = 128

def setup_inputs(seed: int = 0) -> dict:
    key = jax.random.key(seed)
    k1, k2 = jax.random.split(key)
    tokens = jax.random.randint(k1, (16384, 200), 0, NUM_ATOMIC, dtype=jnp.int64)
    table = jax.random.normal(k2, (NUM_ATOMIC, DIM), dtype=jnp.float32)
    return {"tokens": tokens, "table": table}

def reference(tokens, table):
    # nn.Embedding lookup: gather rows of the table by token id
    return jnp.take(table, tokens, axis=0)

if __name__ == "__main__":
    import jax
    _d = setup_inputs()
    print(jax.jit(kernel)(*tuple(_d.values())))

</pallas_src>

<mosaic_0001>
#map = affine_map<(d0, d1) -> (0, 0)>
module attributes {stable_mosaic.version = 14 : i64} {
  func.func @k(%arg0: i32, %arg1: i32, %arg2: memref<25600x128xi32, #tpu.memory_space<hbm>>, %arg3: memref<119x128xf32, #tpu.memory_space<hbm>>, %arg4: memref<3276800x128xf32, #tpu.memory_space<hbm>>, %arg5: memref<2x80x128xi32, #tpu.memory_space<vmem>>, %arg6: memref<4x128x128xf32, #tpu.memory_space<vmem>>, %arg7: memref<119x128xf32, #tpu.memory_space<vmem_shared>>, %arg8: memref<!tpu.dma_semaphore, #tpu.memory_space<semaphore_mem>>, %arg9: memref<!tpu.dma_semaphore, #tpu.memory_space<semaphore_mem>>, %arg10: memref<!tpu.dma_semaphore, #tpu.memory_space<semaphore_mem>>, %arg11: memref<!tpu.dma_semaphore, #tpu.memory_space<semaphore_mem>>, %arg12: memref<!tpu.dma_semaphore, #tpu.memory_space<semaphore_mem>>) attributes {dimension_semantics = [#tpu.dimension_semantics<core_parallel>, #tpu.dimension_semantics<subcore_parallel>], iteration_bounds = array<i64: 2, 16>, scalar_prefetch = 0 : i64, scratch_operands = 8 : i64, tpu.core_type = #tpu.core_type<sc_vector_subcore>, window_params = [{transform_indices = #map}, {transform_indices = #map}, {transform_indices = #map}]} {
    %mul3A = arith.constant 2 : i32
    %mul3A_0 = arith.muli %arg1, %mul3A : i32
    %add3A = arith.addi %mul3A_0, %arg0 : i32
    %mul3A_1 = arith.constant 800 : i32
    %mul3A_2 = arith.muli %add3A, %mul3A_1 : i32
    %mul3A_3 = arith.constant 102400 : i32
    %mul3A_4 = arith.muli %add3A, %mul3A_3 : i32
    %eq3A = arith.constant 0 : i32
    %eq3A_5 = arith.cmpi eq, %arg1, %eq3A : i32
    %convert_element_type3A = arith.extui %eq3A_5 : i1 to i32
    %cond3A = arith.constant 0 : i32
    %cond3A_6 = arith.cmpi ne, %convert_element_type3A, %cond3A : i32
    scf.if %cond3A_6 {
      "tpu.region"() ({
        %run_scoped3A = tpu.sem_alloc : memref<!tpu.dma_semaphore, #tpu.memory_space<semaphore_mem>>
        tpu.enqueue_dma source(%arg3 : memref<119x128xf32, #tpu.memory_space<hbm>>) target(%arg7 : memref<119x128xf32, #tpu.memory_space<vmem_shared>>) target_semaphore(%run_scoped3A : memref<!tpu.dma_semaphore, #tpu.memory_space<semaphore_mem>>)
        tpu.wait_dma2 semaphore(%run_scoped3A : memref<!tpu.dma_semaphore, #tpu.memory_space<semaphore_mem>>) src(%arg3 : memref<119x128xf32, #tpu.memory_space<hbm>>) dst(%arg7 : memref<119x128xf32, #tpu.memory_space<vmem_shared>>)
        tpu.yield
      }) : () -> ()
    } else {
    }
    %barrier3A = arith.constant 0 : index
    tpu.barrier barrier_id(%barrier3A)
    %add3A_7 = arith.constant 0 : i32
    %add3A_8 = arith.addi %mul3A_2, %add3A_7 : i32
    %dma_start3A = arith.constant 0 : i32
    %dma_start3A_9 = arith.constant 0 : i32
    %dma_start3A_10 = arith.constant 0 : i32
    %dma_start3A_11 = tpu.memref_slice %arg5[%dma_start3A, %dma_start3A_9, %dma_start3A_10] : memref<2x80x128xi32, #tpu.memory_space<vmem>> -> memref<1x80x128xi32, #tpu.memory_space<vmem>>
    %dma_start3A_12 = tpu.memref_squeeze %dma_start3A_11 : memref<1x80x128xi32, #tpu.memory_space<vmem>> -> memref<80x128xi32, #tpu.memory_space<vmem>>
    %dma_start3A_13 = arith.constant 0 : i32
    %dma_start3A_14 = tpu.memref_slice %arg2[%add3A_8, %dma_start3A_13] : memref<25600x128xi32, #tpu.memory_space<hbm>> -> memref<80x128xi32, #tpu.memory_space<hbm>>
    %dma_start3A_15 = arith.constant 0 : i32
    %dma_start3A_16 = arith.constant 0 : i32
    %dma_start3A_17 = tpu.memref_slice %arg5[%dma_start3A, %dma_start3A_15, %dma_start3A_16] : memref<2x80x128xi32, #tpu.memory_space<vmem>> -> memref<1x80x128xi32, #tpu.memory_space<vmem>>
    %dma_start3A_18 = tpu.memref_squeeze %dma_start3A_17 : memref<1x80x128xi32, #tpu.memory_space<vmem>> -> memref<80x128xi32, #tpu.memory_space<vmem>>
    %dma_start3A_19 = arith.constant 0 : i32
    %dma_start3A_20 = tpu.memref_slice %arg2[%add3A_8, %dma_start3A_19] : memref<25600x128xi32, #tpu.memory_space<hbm>> -> memref<80x128xi32, #tpu.memory_space<hbm>>
    tpu.enqueue_dma source(%dma_start3A_20 : memref<80x128xi32, #tpu.memory_space<hbm>>) target(%dma_start3A_18 : memref<80x128xi32, #tpu.memory_space<vmem>>) target_semaphore(%arg12 : memref<!tpu.dma_semaphore, #tpu.memory_space<semaphore_mem>>)
    %add3A_21 = arith.constant 0 : i32
    %add3A_22 = arith.addi %mul3A_2, %add3A_21 : i32
    %dma_wait3A = arith.constant 0 : i32
    %dma_wait3A_23 = arith.constant 0 : i32
    %dma_wait3A_24 = arith.constant 0 : i32
    %dma_wait3A_25 = tpu.memref_slice %arg5[%dma_wait3A, %dma_wait3A_23, %dma_wait3A_24] : memref<2x80x128xi32, #tpu.memory_space<vmem>> -> memref<1x80x128xi32, #tpu.memory_space<vmem>>
    %dma_wait3A_26 = tpu.memref_squeeze %dma_wait3A_25 : memref<1x80x128xi32, #tpu.memory_space<vmem>> -> memref<80x128xi32, #tpu.memory_space<vmem>>
    %dma_wait3A_27 = arith.constant 0 : i32
    %dma_wait3A_28 = tpu.memref_slice %arg2[%add3A_22, %dma_wait3A_27] : memref<25600x128xi32, #tpu.memory_space<hbm>> -> memref<80x128xi32, #tpu.memory_space<hbm>>
    %dma_wait3A_29 = arith.constant 0 : i32
    %dma_wait3A_30 = arith.constant 0 : i32
    %dma_wait3A_31 = tpu.memref_slice %arg5[%dma_wait3A, %dma_wait3A_29, %dma_wait3A_30] : memref<2x80x128xi32, #tpu.memory_space<vmem>> -> memref<1x80x128xi32, #tpu.memory_space<vmem>>
    %dma_wait3A_32 = tpu.memref_squeeze %dma_wait3A_31 : memref<1x80x128xi32, #tpu.memory_space<vmem>> -> memref<80x128xi32, #tpu.memory_space<vmem>>
    %dma_wait3A_33 = arith.constant 0 : i32
    %dma_wait3A_34 = tpu.memref_slice %arg2[%add3A_22, %dma_wait3A_33] : memref<25600x128xi32, #tpu.memory_space<hbm>> -> memref<80x128xi32, #tpu.memory_space<hbm>>
    tpu.wait_dma2 semaphore(%arg12 : memref<!tpu.dma_semaphore, #tpu.memory_space<semaphore_mem>>) src(%dma_wait3A_34 : memref<80x128xi32, #tpu.memory_space<hbm>>) dst(%dma_wait3A_32 : memref<80x128xi32, #tpu.memory_space<vmem>>)
    %scan3A = arith.constant 0 : i32
    %scan3A_35 = arith.constant 0 : i32
    %scan3A_36 = arith.constant 5 : i32
    %scan3A_37 = arith.addi %scan3A_35, %scan3A_36 : i32
    %scan3A_38 = arith.constant 1 : i32
    scf.for %scan3A_40 = %scan3A_35 to %scan3A_37 step %scan3A_38  : i32 {
      %mul3A_41 = arith.constant 2 : i32
      %mul3A_42 = arith.muli %scan3A_40, %mul3A_41 : i32
      %mul3A_43 = arith.constant 80 : i32
      %mul3A_44 = arith.muli %mul3A_42, %mul3A_43 : i32
      %add3A_45 = arith.constant 1 : i32
      %add3A_46 = arith.addi %mul3A_42, %add3A_45 : i32
      %lt3A = arith.constant 10 : i32
      %lt3A_47 = arith.cmpi slt, %add3A_46, %lt3A : i32
      %convert_element_type3A_48 = arith.extui %lt3A_47 : i1 to i32
      %cond3A_49 = arith.constant 0 : i32
      %cond3A_50 = arith.cmpi ne, %convert_element_type3A_48, %cond3A_49 : i32
      scf.if %cond3A_50 {
        %add3A_317 = arith.constant 1 : i32
        %add3A_318 = arith.addi %mul3A_42, %add3A_317 : i32
        %mul3A_319 = arith.constant 80 : i32
        %mul3A_320 = arith.muli %add3A_318, %mul3A_319 : i32
        %add3A_321 = arith.addi %mul3A_2, %mul3A_320 : i32
        %dma_start3A_322 = arith.constant 1 : i32
        %dma_start3A_323 = arith.constant 0 : i32
        %dma_start3A_324 = arith.constant 0 : i32
        %dma_start3A_325 = tpu.memref_slice %arg5[%dma_start3A_322, %dma_start3A_323, %dma_start3A_324] : memref<2x80x128xi32, #tpu.memory_space<vmem>> -> memref<1x80x128xi32, #tpu.memory_space<vmem>>
        %dma_start3A_326 = tpu.memref_squeeze %dma_start3A_325 : memref<1x80x128xi32, #tpu.memory_space<vmem>> -> memref<80x128xi32, #tpu.memory_space<vmem>>
        %dma_start3A_327 = arith.constant 0 : i32
        %dma_start3A_328 = tpu.memref_slice %arg2[%add3A_321, %dma_start3A_327] : memref<25600x128xi32, #tpu.memory_space<hbm>> -> memref<80x128xi32, #tpu.memory_space<hbm>>
        %dma_start3A_329 = arith.constant 0 : i32
        %dma_start3A_330 = arith.constant 0 : i32
        %dma_start3A_331 = tpu.memref_slice %arg5[%dma_start3A_322, %dma_start3A_329, %dma_start3A_330] : memref<2x80x128xi32, #tpu.memory_space<vmem>> -> memref<1x80x128xi32, #tpu.memory_space<vmem>>
        %dma_start3A_332 = tpu.memref_squeeze %dma_start3A_331 : memref<1x80x128xi32, #tpu.memory_space<vmem>> -> memref<80x128xi32, #tpu.memory_space<vmem>>
        %dma_start3A_333 = arith.constant 0 : i32
        %dma_start3A_334 = tpu.memref_slice %arg2[%add3A_321, %dma_start3A_333] : memref<25600x128xi32, #tpu.memory_space<hbm>> -> memref<80x128xi32, #tpu.memory_space<hbm>>
        tpu.enqueue_dma source(%dma_start3A_334 : memref<80x128xi32, #tpu.memory_space<hbm>>) target(%dma_start3A_332 : memref<80x128xi32, #tpu.memory_space<vmem>>) target_semaphore(%arg12 : memref<!tpu.dma_semaphore, #tpu.memory_space<semaphore_mem>>)
      } else {
      }
      %dma_start3A_51 = arith.constant 0 : i32
      %dma_start3A_52 = arith.constant 0 : i32
      %dma_start3A_53 = arith.constant 0 : i32
      %dma_start3A_54 = arith.constant 0 : i32
      %dma_start3A_55 = arith.constant 0 : i32
      %dma_start3A_56 = tpu.memref_slice %arg6[%dma_start3A_53, %dma_start3A_54, %dma_start3A_55] : memref<4x128x128xf32, #tpu.memory_space<vmem>> -> memref<1x128x128xf32, #tpu.memory_space<vmem>>
      %dma_start3A_57 = tpu.memref_squeeze %dma_start3A_56 : memref<1x128x128xf32, #tpu.memory_space<vmem>> -> memref<128x128xf32, #tpu.memory_space<vmem>>
      %dma_start3A_58 = arith.constant 0 : i32
      %dma_start3A_59 = tpu.memref_slice %arg5[%dma_start3A_51, %dma_start3A_52, %dma_start3A_58] : memref<2x80x128xi32, #tpu.memory_space<vmem>> -> memref<1x1x128xi32, #tpu.memory_space<vmem>>
      %dma_start3A_60 = tpu.memref_squeeze %dma_start3A_59 : memref<1x1x128xi32, #tpu.memory_space<vmem>> -> memref<128xi32, #tpu.memory_space<vmem>>
      %dma_start3A_61 = arith.constant 0 : i32
      %dma_start3A_62 = arith.constant 0 : i32
      %dma_start3A_63 = tpu.memref_slice %arg7[%dma_start3A_61, %dma_start3A_62] : memref<119x128xf32, #tpu.memory_space<vmem_shared>> -> memref<119x128xf32, #tpu.memory_space<vmem_shared>>
      tpu.enqueue_indirect_dma source(%dma_start3A_63 : memref<119x128xf32, #tpu.memory_space<vmem_shared>>) target(%dma_start3A_57 : memref<128x128xf32, #tpu.memory_space<vmem>>) offsets(%dma_start3A_60 : memref<128xi32, #tpu.memory_space<vmem>>) semaphore(%arg8 : memref<!tpu.dma_semaphore, #tpu.memory_space<semaphore_mem>>)
      %dma_start3A_64 = arith.constant 0 : i32
      %dma_start3A_65 = arith.constant 1 : i32
      %dma_start3A_66 = arith.constant 1 : i32
      %dma_start3A_67 = arith.constant 0 : i32
      %dma_start3A_68 = arith.constant 0 : i32
      %dma_start3A_69 = tpu.memref_slice %arg6[%dma_start3A_66, %dma_start3A_67, %dma_start3A_68] : memref<4x128x128xf32, #tpu.memory_space<vmem>> -> memref<1x128x128xf32, #tpu.memory_space<vmem>>
      %dma_start3A_70 = tpu.memref_squeeze %dma_start3A_69 : memref<1x128x128xf32, #tpu.memory_space<vmem>> -> memref<128x128xf32, #tpu.memory_space<vmem>>
      %dma_start3A_71 = arith.constant 0 : i32
      %dma_start3A_72 = tpu.memref_slice %arg5[%dma_start3A_64, %dma_start3A_65, %dma_start3A_71] : memref<2x80x128xi32, #tpu.memory_space<vmem>> -> memref<1x1x128xi32, #tpu.memory_space<vmem>>
      %dma_start3A_73 = tpu.memref_squeeze %dma_start3A_72 : memref<1x1x128xi32, #tpu.memory_space<vmem>> -> memref<128xi32, #tpu.memory_space<vmem>>
      %dma_start3A_74 = arith.constant 0 : i32
      %dma_start3A_75 = arith.constant 0 : i32
      %dma_start3A_76 = tpu.memref_slice %arg7[%dma_start3A_74, %dma_start3A_75] : memref<119x128xf32, #tpu.memory_space<vmem_shared>> -> memref<119x128xf32, #tpu.memory_space<vmem_shared>>
      tpu.enqueue_indirect_dma source(%dma_start3A_76 : memref<119x128xf32, #tpu.memory_space<vmem_shared>>) target(%dma_start3A_70 : memref<128x128xf32, #tpu.memory_space<vmem>>) offsets(%dma_start3A_73 : memref<128xi32, #tpu.memory_space<vmem>>) semaphore(%arg9 : memref<!tpu.dma_semaphore, #tpu.memory_space<semaphore_mem>>)
      %scan3A_77 = arith.constant 0 : i32
      %scan3A_78 = arith.constant 0 : i32
      %scan3A_79 = arith.constant 20 : i32
      %scan3A_80 = arith.addi %scan3A_78, %scan3A_79 : i32
      %scan3A_81 = arith.constant 1 : i32
      scf.for %scan3A_317 = %scan3A_78 to %scan3A_80 step %scan3A_81  : i32 {
        %mul3A_318 = arith.constant 4 : i32
        %mul3A_319 = arith.muli %scan3A_317, %mul3A_318 : i32
        %add3A_320 = arith.constant 0 : i32
        %add3A_321 = arith.addi %mul3A_319, %add3A_320 : i32
        %dma_wait3A_322 = arith.constant 0 : i32
        %dma_wait3A_323 = arith.constant 0 : i32
        %dma_wait3A_324 = arith.constant 0 : i32
        %dma_wait3A_325 = arith.constant 0 : i32
        %dma_wait3A_326 = tpu.memref_slice %arg6[%dma_wait3A_323, %dma_wait3A_324, %dma_wait3A_325] : memref<4x128x128xf32, #tpu.memory_space<vmem>> -> memref<1x128x128xf32, #tpu.memory_space<vmem>>
        %dma_wait3A_327 = tpu.memref_squeeze %dma_wait3A_326 : memref<1x128x128xf32, #tpu.memory_space<vmem>> -> memref<128x128xf32, #tpu.memory_space<vmem>>
        %dma_wait3A_328 = arith.constant 0 : i32
        %dma_wait3A_329 = tpu.memref_slice %arg5[%dma_wait3A_322, %add3A_321, %dma_wait3A_328] : memref<2x80x128xi32, #tpu.memory_space<vmem>> -> memref<1x1x128xi32, #tpu.memory_space<vmem>>
        %dma_wait3A_330 = tpu.memref_squeeze %dma_wait3A_329 : memref<1x1x128xi32, #tpu.memory_space<vmem>> -> memref<128xi32, #tpu.memory_space<vmem>>
        %dma_wait3A_331 = arith.constant 0 : i32
        %dma_wait3A_332 = arith.constant 0 : i32
        %dma_wait3A_333 = tpu.memref_slice %arg7[%dma_wait3A_331, %dma_wait3A_332] : memref<119x128xf32, #tpu.memory_space<vmem_shared>> -> memref<119x128xf32, #tpu.memory_space<vmem_shared>>
        tpu.wait_indirect_dma semaphore(%arg8 : memref<!tpu.dma_semaphore, #tpu.memory_space<semaphore_mem>>) src(%dma_wait3A_333 : memref<119x128xf32, #tpu.memory_space<vmem_shared>>) dst(%dma_wait3A_327 : memref<128x128xf32, #tpu.memory_space<vmem>>)
        %add3A_334 = arith.addi %mul3A_44, %add3A_321 : i32
        %mul3A_335 = arith.constant 128 : i32
        %mul3A_336 = arith.muli %add3A_334, %mul3A_335 : i32
        %add3A_337 = arith.addi %mul3A_4, %mul3A_336 : i32
        %dma_start3A_338 = arith.constant 0 : i32
        %dma_start3A_339 = arith.constant 0 : i32
        %dma_start3A_340 = arith.constant 0 : i32
        %dma_start3A_341 = tpu.memref_slice %arg6[%dma_start3A_338, %dma_start3A_339, %dma_start3A_340] : memref<4x128x128xf32, #tpu.memory_space<vmem>> -> memref<1x128x128xf32, #tpu.memory_space<vmem>>
        %dma_start3A_342 = tpu.memref_squeeze %dma_start3A_341 : memref<1x128x128xf32, #tpu.memory_space<vmem>> -> memref<128x128xf32, #tpu.memory_space<vmem>>
        %dma_start3A_343 = arith.constant 0 : i32
        %dma_start3A_344 = tpu.memref_slice %arg4[%add3A_337, %dma_start3A_343] : memref<3276800x128xf32, #tpu.memory_space<hbm>> -> memref<128x128xf32, #tpu.memory_space<hbm>>
        %dma_start3A_345 = arith.constant 0 : i32
        %dma_start3A_346 = tpu.memref_slice %arg4[%add3A_337, %dma_start3A_345] : memref<3276800x128xf32, #tpu.memory_space<hbm>> -> memref<128x128xf32, #tpu.memory_space<hbm>>
        %dma_start3A_347 = arith.constant 0 : i32
        %dma_start3A_348 = arith.constant 0 : i32
        %dma_start3A_349 = tpu.memref_slice %arg6[%dma_start3A_338, %dma_start3A_347, %dma_start3A_348] : memref<4x128x128xf32, #tpu.memory_space<vmem>> -> memref<1x128x128xf32, #tpu.memory_space<vmem>>
        %dma_start3A_350 = tpu.memref_squeeze %dma_start3A_349 : memref<1x128x128xf32, #tpu.memory_space<vmem>> -> memref<128x128xf32, #tpu.memory_space<vmem>>
        tpu.enqueue_dma source(%dma_start3A_350 : memref<128x128xf32, #tpu.memory_space<vmem>>) target(%dma_start3A_346 : memref<128x128xf32, #tpu.memory_space<hbm>>) target_semaphore(%arg8 : memref<!tpu.dma_semaphore, #tpu.memory_space<semaphore_mem>>)
        %add3A_351 = arith.constant 2 : i32
        %add3A_352 = arith.addi %add3A_321, %add3A_351 : i32
        %lt3A_353 = arith.constant 80 : i32
        %lt3A_354 = arith.cmpi slt, %add3A_352, %lt3A_353 : i32
        %convert_element_type3A_355 = arith.extui %lt3A_354 : i1 to i32
        %cond3A_356 = arith.constant 0 : i32
        %cond3A_357 = arith.cmpi ne, %convert_element_type3A_355, %cond3A_356 : i32
        scf.if %cond3A_357 {
          %ge3A = arith.constant 4 : i32
          %ge3A_478 = arith.cmpi sge, %add3A_352, %ge3A : i32
          %convert_element_type3A_479 = arith.extui %ge3A_478 : i1 to i32
          %cond3A_480 = arith.constant 0 : i32
          %cond3A_481 = arith.cmpi ne, %convert_element_type3A_479, %cond3A_480 : i32
          scf.if %cond3A_481 {
            %add3A_494 = arith.addi %mul3A_44, %add3A_352 : i32
            %sub3A_495 = arith.constant 4 : i32
            %sub3A_496 = arith.subi %add3A_494, %sub3A_495 : i32
            %mul3A_497 = arith.constant 128 : i32
            %mul3A_498 = arith.muli %sub3A_496, %mul3A_497 : i32
            %add3A_499 = arith.addi %mul3A_4, %mul3A_498 : i32
            %dma_wait3A_500 = arith.constant 2 : i32
            %dma_wait3A_501 = arith.constant 0 : i32
            %dma_wait3A_502 = arith.constant 0 : i32
            %dma_wait3A_503 = tpu.memref_slice %arg6[%dma_wait3A_500, %dma_wait3A_501, %dma_wait3A_502] : memref<4x128x128xf32, #tpu.memory_space<vmem>> -> memref<1x128x128xf32, #tpu.memory_space<vmem>>
            %dma_wait3A_504 = tpu.memref_squeeze %dma_wait3A_503 : memref<1x128x128xf32, #tpu.memory_space<vmem>> -> memref<128x128xf32, #tpu.memory_space<vmem>>
            %dma_wait3A_505 = arith.constant 0 : i32
            %dma_wait3A_506 = tpu.memref_slice %arg4[%add3A_499, %dma_wait3A_505] : memref<3276800x128xf32, #tpu.memory_space<hbm>> -> memref<128x128xf32, #tpu.memory_space<hbm>>
            %dma_wait3A_507 = arith.constant 0 : i32
            %dma_wait3A_508 = tpu.memref_slice %arg4[%add3A_499, %dma_wait3A_507] : memref<3276800x128xf32, #tpu.memory_space<hbm>> -> memref<128x128xf32, #tpu.memory_space<hbm>>
            %dma_wait3A_509 = arith.constant 0 : i32
            %dma_wait3A_510 = arith.constant 0 : i32
            %dma_wait3A_511 = tpu.memref_slice %arg6[%dma_wait3A_500, %dma_wait3A_509, %dma_wait3A_510] : memref<4x128x128xf32, #tpu.memory_space<vmem>> -> memref<1x128x128xf32, #tpu.memory_space<vmem>>
            %dma_wait3A_512 = tpu.memref_squeeze %dma_wait3A_511 : memref<1x128x128xf32, #tpu.memory_space<vmem>> -> memref<128x128xf32, #tpu.memory_space<vmem>>
            tpu.wait_dma2 semaphore(%arg10 : memref<!tpu.dma_semaphore, #tpu.memory_space<semaphore_mem>>) src(%dma_wait3A_512 : memref<128x128xf32, #tpu.memory_space<vmem>>) dst(%dma_wait3A_508 : memref<128x128xf32, #tpu.memory_space<hbm>>)
          } else {
          }
          %dma_start3A_482 = arith.constant 0 : i32
          %dma_start3A_483 = arith.constant 2 : i32
          %dma_start3A_484 = arith.constant 0 : i32
          %dma_start3A_485 = arith.constant 0 : i32
          %dma_start3A_486 = tpu.memref_slice %arg6[%dma_start3A_483, %dma_start3A_484, %dma_start3A_485] : memref<4x128x128xf32, #tpu.memory_space<vmem>> -> memref<1x128x128xf32, #tpu.memory_space<vmem>>
          %dma_start3A_487 = tpu.memref_squeeze %dma_start3A_486 : memref<1x128x128xf32, #tpu.memory_space<vmem>> -> memref<128x128xf32, #tpu.memory_space<vmem>>
          %dma_start3A_488 = arith.constant 0 : i32
          %dma_start3A_489 = tpu.memref_slice %arg5[%dma_start3A_482, %add3A_352, %dma_start3A_488] : memref<2x80x128xi32, #tpu.memory_space<vmem>> -> memref<1x1x128xi32, #tpu.memory_space<vmem>>
          %dma_start3A_490 = tpu.memref_squeeze %dma_start3A_489 : memref<1x1x128xi32, #tpu.memory_space<vmem>> -> memref<128xi32, #tpu.memory_space<vmem>>
          %dma_start3A_491 = arith.constant 0 : i32
          %dma_start3A_492 = arith.constant 0 : i32
          %dma_start3A_493 = tpu.memref_slice %arg7[%dma_start3A_491, %dma_start3A_492] : memref<119x128xf32, #tpu.memory_space<vmem_shared>> -> memref<119x128xf32, #tpu.memory_space<vmem_shared>>
          tpu.enqueue_indirect_dma source(%dma_start3A_493 : memref<119x128xf32, #tpu.memory_space<vmem_shared>>) target(%dma_start3A_487 : memref<128x128xf32, #tpu.memory_space<vmem>>) offsets(%dma_start3A_490 : memref<128xi32, #tpu.memory_space<vmem>>) semaphore(%arg10 : memref<!tpu.dma_semaphore, #tpu.memory_space<semaphore_mem>>)
        } else {
        }
        %mul3A_358 = arith.constant 4 : i32
        %mul3A_359 = arith.muli %scan3A_317, %mul3A_358 : i32
        %add3A_360 = arith.constant 1 : i32
        %add3A_361 = arith.addi %mul3A_359, %add3A_360 : i32
        %dma_wait3A_362 = arith.constant 0 : i32
        %dma_wait3A_363 = arith.constant 1 : i32
        %dma_wait3A_364 = arith.constant 0 : i32
        %dma_wait3A_365 = arith.constant 0 : i32
        %dma_wait3A_366 = tpu.memref_slice %arg6[%dma_wait3A_363, %dma_wait3A_364, %dma_wait3A_365] : memref<4x128x128xf32, #tpu.memory_space<vmem>> -> memref<1x128x128xf32, #tpu.memory_space<vmem>>
        %dma_wait3A_367 = tpu.memref_squeeze %dma_wait3A_366 : memref<1x128x128xf32, #tpu.memory_space<vmem>> -> memref<128x128xf32, #tpu.memory_space<vmem>>
        %dma_wait3A_368 = arith.constant 0 : i32
        %dma_wait3A_369 = tpu.memref_slice %arg5[%dma_wait3A_362, %add3A_361, %dma_wait3A_368] : memref<2x80x128xi32, #tpu.memory_space<vmem>> -> memref<1x1x128xi32, #tpu.memory_space<vmem>>
        %dma_wait3A_370 = tpu.memref_squeeze %dma_wait3A_369 : memref<1x1x128xi32, #tpu.memory_space<vmem>> -> memref<128xi32, #tpu.memory_space<vmem>>
        %dma_wait3A_371 = arith.constant 0 : i32
        %dma_wait3A_372 = arith.constant 0 : i32
        %dma_wait3A_373 = tpu.memref_slice %arg7[%dma_wait3A_371, %dma_wait3A_372] : memref<119x128xf32, #tpu.memory_space<vmem_shared>> -> memref<119x128xf32, #tpu.memory_space<vmem_shared>>
        tpu.wait_indirect_dma semaphore(%arg9 : memref<!tpu.dma_semaphore, #tpu.memory_space<semaphore_mem>>) src(%dma_wait3A_373 : memref<119x128xf32, #tpu.memory_space<vmem_shared>>) dst(%dma_wait3A_367 : memref<128x128xf32, #tpu.memory_space<vmem>>)
        %add3A_374 = arith.addi %mul3A_44, %add3A_361 : i32
        %mul3A_375 = arith.constant 128 : i32
        %mul3A_376 = arith.muli %add3A_374, %mul3A_375 : i32
        %add3A_377 = arith.addi %mul3A_4, %mul3A_376 : i32
        %dma_start3A_378 = arith.constant 1 : i32
        %dma_start3A_379 = arith.constant 0 : i32
        %dma_start3A_380 = arith.constant 0 : i32
        %dma_start3A_381 = tpu.memref_slice %arg6[%dma_start3A_378, %dma_start3A_379, %dma_start3A_380] : memref<4x128x128xf32, #tpu.memory_space<vmem>> -> memref<1x128x128xf32, #tpu.memory_space<vmem>>
        %dma_start3A_382 = tpu.memref_squeeze %dma_start3A_381 : memref<1x128x128xf32, #tpu.memory_space<vmem>> -> memref<128x128xf32, #tpu.memory_space<vmem>>
        %dma_start3A_383 = arith.constant 0 : i32
        %dma_start3A_384 = tpu.memref_slice %arg4[%add3A_377, %dma_start3A_383] : memref<3276800x128xf32, #tpu.memory_space<hbm>> -> memref<128x128xf32, #tpu.memory_space<hbm>>
        %dma_start3A_385 = arith.constant 0 : i32
        %dma_start3A_386 = tpu.memref_slice %arg4[%add3A_377, %dma_start3A_385] : memref<3276800x128xf32, #tpu.memory_space<hbm>> -> memref<128x128xf32, #tpu.memory_space<hbm>>
        %dma_start3A_387 = arith.constant 0 : i32
        %dma_start3A_388 = arith.constant 0 : i32
        %dma_start3A_389 = tpu.memref_slice %arg6[%dma_start3A_378, %dma_start3A_387, %dma_start3A_388] : memref<4x128x128xf32, #tpu.memory_space<vmem>> -> memref<1x128x128xf32, #tpu.memory_space<vmem>>
        %dma_start3A_390 = tpu.memref_squeeze %dma_start3A_389 : memref<1x128x128xf32, #tpu.memory_space<vmem>> -> memref<128x128xf32, #tpu.memory_space<vmem>>
        tpu.enqueue_dma source(%dma_start3A_390 : memref<128x128xf32, #tpu.memory_space<vmem>>) target(%dma_start3A_386 : memref<128x128xf32, #tpu.memory_space<hbm>>) target_semaphore(%arg9 : memref<!tpu.dma_semaphore, #tpu.memory_space<semaphore_mem>>)
        %add3A_391 = arith.constant 2 : i32
        %add3A_392 = arith.addi %add3A_361, %add3A_391 : i32
        %lt3A_393 = arith.constant 80 : i32
        %lt3A_394 = arith.cmpi slt, %add3A_392, %lt3A_393 : i32
        %convert_element_type3A_395 = arith.extui %lt3A_394 : i1 to i32
        %cond3A_396 = arith.constant 0 : i32
        %cond3A_397 = arith.cmpi ne, %convert_element_type3A_395, %cond3A_396 : i32
        scf.if %cond3A_397 {
          %ge3A = arith.constant 4 : i32
          %ge3A_478 = arith.cmpi sge, %add3A_392, %ge3A : i32
          %convert_element_type3A_479 = arith.extui %ge3A_478 : i1 to i32
          %cond3A_480 = arith.constant 0 : i32
          %cond3A_481 = arith.cmpi ne, %convert_element_type3A_479, %cond3A_480 : i32
          scf.if %cond3A_481 {
            %add3A_494 = arith.addi %mul3A_44, %add3A_392 : i32
            %sub3A_495 = arith.constant 4 : i32
            %sub3A_496 = arith.subi %add3A_494, %sub3A_495 : i32
            %mul3A_497 = arith.constant 128 : i32
            %mul3A_498 = arith.muli %sub3A_496, %mul3A_497 : i32
            %add3A_499 = arith.addi %mul3A_4, %mul3A_498 : i32
            %dma_wait3A_500 = arith.constant 3 : i32
            %dma_wait3A_501 = arith.constant 0 : i32
            %dma_wait3A_502 = arith.constant 0 : i32
            %dma_wait3A_503 = tpu.memref_slice %arg6[%dma_wait3A_500, %dma_wait3A_501, %dma_wait3A_502] : memref<4x128x128xf32, #tpu.memory_space<vmem>> -> memref<1x128x128xf32, #tpu.memory_space<vmem>>
            %dma_wait3A_504 = tpu.memref_squeeze %dma_wait3A_503 : memref<1x128x128xf32, #tpu.memory_space<vmem>> -> memref<128x128xf32, #tpu.memory_space<vmem>>
            %dma_wait3A_505 = arith.constant 0 : i32
            %dma_wait3A_506 = tpu.memref_slice %arg4[%add3A_499, %dma_wait3A_505] : memref<3276800x128xf32, #tpu.memory_space<hbm>> -> memref<128x128xf32, #tpu.memory_space<hbm>>
            %dma_wait3A_507 = arith.constant 0 : i32
            %dma_wait3A_508 = tpu.memref_slice %arg4[%add3A_499, %dma_wait3A_507] : memref<3276800x128xf32, #tpu.memory_space<hbm>> -> memref<128x128xf32, #tpu.memory_space<hbm>>
            %dma_wait3A_509 = arith.constant 0 : i32
            %dma_wait3A_510 = arith.constant 0 : i32
            %dma_wait3A_511 = tpu.memref_slice %arg6[%dma_wait3A_500, %dma_wait3A_509, %dma_wait3A_510] : memref<4x128x128xf32, #tpu.memory_space<vmem>> -> memref<1x128x128xf32, #tpu.memory_space<vmem>>
            %dma_wait3A_512 = tpu.memref_squeeze %dma_wait3A_511 : memref<1x128x128xf32, #tpu.memory_space<vmem>> -> memref<128x128xf32, #tpu.memory_space<vmem>>
            tpu.wait_dma2 semaphore(%arg11 : memref<!tpu.dma_semaphore, #tpu.memory_space<semaphore_mem>>) src(%dma_wait3A_512 : memref<128x128xf32, #tpu.memory_space<vmem>>) dst(%dma_wait3A_508 : memref<128x128xf32, #tpu.memory_space<hbm>>)
          } else {
          }
          %dma_start3A_482 = arith.constant 0 : i32
          %dma_start3A_483 = arith.constant 3 : i32
          %dma_start3A_484 = arith.constant 0 : i32
          %dma_start3A_485 = arith.constant 0 : i32
          %dma_start3A_486 = tpu.memref_slice %arg6[%dma_start3A_483, %dma_start3A_484, %dma_start3A_485] : memref<4x128x128xf32, #tpu.memory_space<vmem>> -> memref<1x128x128xf32, #tpu.memory_space<vmem>>
          %dma_start3A_487 = tpu.memref_squeeze %dma_start3A_486 : memref<1x128x128xf32, #tpu.memory_space<vmem>> -> memref<128x128xf32, #tpu.memory_space<vmem>>
          %dma_start3A_488 = arith.constant 0 : i32
          %dma_start3A_489 = tpu.memref_slice %arg5[%dma_start3A_482, %add3A_392, %dma_start3A_488] : memref<2x80x128xi32, #tpu.memory_space<vmem>> -> memref<1x1x128xi32, #tpu.memory_space<vmem>>
          %dma_start3A_490 = tpu.memref_squeeze %dma_start3A_489 : memref<1x1x128xi32, #tpu.memory_space<vmem>> -> memref<128xi32, #tpu.memory_space<vmem>>
          %dma_start3A_491 = arith.constant 0 : i32
          %dma_start3A_492 = arith.constant 0 : i32
          %dma_start3A_493 = tpu.memref_slice %arg7[%dma_start3A_491, %dma_start3A_492] : memref<119x128xf32, #tpu.memory_space<vmem_shared>> -> memref<119x128xf32, #tpu.memory_space<vmem_shared>>
          tpu.enqueue_indirect_dma source(%dma_start3A_493 : memref<119x128xf32, #tpu.memory_space<vmem_shared>>) target(%dma_start3A_487 : memref<128x128xf32, #tpu.memory_space<vmem>>) offsets(%dma_start3A_490 : memref<128xi32, #tpu.memory_space<vmem>>) semaphore(%arg11 : memref<!tpu.dma_semaphore, #tpu.memory_space<semaphore_mem>>)
        } else {
        }
        %mul3A_398 = arith.constant 4 : i32
        %mul3A_399 = arith.muli %scan3A_317, %mul3A_398 : i32
        %add3A_400 = arith.constant 2 : i32
        %add3A_401 = arith.addi %mul3A_399, %add3A_400 : i32
        %dma_wait3A_402 = arith.constant 0 : i32
        %dma_wait3A_403 = arith.constant 2 : i32
        %dma_wait3A_404 = arith.constant 0 : i32
        %dma_wait3A_405 = arith.constant 0 : i32
        %dma_wait3A_406 = tpu.memref_slice %arg6[%dma_wait3A_403, %dma_wait3A_404, %dma_wait3A_405] : memref<4x128x128xf32, #tpu.memory_space<vmem>> -> memref<1x128x128xf32, #tpu.memory_space<vmem>>
        %dma_wait3A_407 = tpu.memref_squeeze %dma_wait3A_406 : memref<1x128x128xf32, #tpu.memory_space<vmem>> -> memref<128x128xf32, #tpu.memory_space<vmem>>
        %dma_wait3A_408 = arith.constant 0 : i32
        %dma_wait3A_409 = tpu.memref_slice %arg5[%dma_wait3A_402, %add3A_401, %dma_wait3A_408] : memref<2x80x128xi32, #tpu.memory_space<vmem>> -> memref<1x1x128xi32, #tpu.memory_space<vmem>>
        %dma_wait3A_410 = tpu.memref_squeeze %dma_wait3A_409 : memref<1x1x128xi32, #tpu.memory_space<vmem>> -> memref<128xi32, #tpu.memory_space<vmem>>
        %dma_wait3A_411 = arith.constant 0 : i32
        %dma_wait3A_412 = arith.constant 0 : i32
        %dma_wait3A_413 = tpu.memref_slice %arg7[%dma_wait3A_411, %dma_wait3A_412] : memref<119x128xf32, #tpu.memory_space<vmem_shared>> -> memref<119x128xf32, #tpu.memory_space<vmem_shared>>
        tpu.wait_indirect_dma semaphore(%arg10 : memref<!tpu.dma_semaphore, #tpu.memory_space<semaphore_mem>>) src(%dma_wait3A_413 : memref<119x128xf32, #tpu.memory_space<vmem_shared>>) dst(%dma_wait3A_407 : memref<128x128xf32, #tpu.memory_space<vmem>>)
        %add3A_414 = arith.addi %mul3A_44, %add3A_401 : i32
        %mul3A_415 = arith.constant 128 : i32
        %mul3A_416 = arith.muli %add3A_414, %mul3A_415 : i32
        %add3A_417 = arith.addi %mul3A_4, %mul3A_416 : i32
        %dma_start3A_418 = arith.constant 2 : i32
        %dma_start3A_419 = arith.constant 0 : i32
        %dma_start3A_420 = arith.constant 0 : i32
        %dma_start3A_421 = tpu.memref_slice %arg6[%dma_start3A_418, %dma_start3A_419, %dma_start3A_420] : memref<4x128x128xf32, #tpu.memory_space<vmem>> -> memref<1x128x128xf32, #tpu.memory_space<vmem>>
        %dma_start3A_422 = tpu.memref_squeeze %dma_start3A_421 : memref<1x128x128xf32, #tpu.memory_space<vmem>> -> memref<128x128xf32, #tpu.memory_space<vmem>>
        %dma_start3A_423 = arith.constant 0 : i32
        %dma_start3A_424 = tpu.memref_slice %arg4[%add3A_417, %dma_start3A_423] : memref<3276800x128xf32, #tpu.memory_space<hbm>> -> memref<128x128xf32, #tpu.memory_space<hbm>>
        %dma_start3A_425 = arith.constant 0 : i32
        %dma_start3A_426 = tpu.memref_slice %arg4[%add3A_417, %dma_start3A_425] : memref<3276800x128xf32, #tpu.memory_space<hbm>> -> memref<128x128xf32, #tpu.memory_space<hbm>>
        %dma_start3A_427 = arith.constant 0 : i32
        %dma_start3A_428 = arith.constant 0 : i32
        %dma_start3A_429 = tpu.memref_slice %arg6[%dma_start3A_418, %dma_start3A_427, %dma_start3A_428] : memref<4x128x128xf32, #tpu.memory_space<vmem>> -> memref<1x128x128xf32, #tpu.memory_space<vmem>>
        %dma_start3A_430 = tpu.memref_squeeze %dma_start3A_429 : memref<1x128x128xf32, #tpu.memory_space<vmem>> -> memref<128x128xf32, #tpu.memory_space<vmem>>
        tpu.enqueue_dma source(%dma_start3A_430 : memref<128x128xf32, #tpu.memory_space<vmem>>) target(%dma_start3A_426 : memref<128x128xf32, #tpu.memory_space<hbm>>) target_semaphore(%arg10 : memref<!tpu.dma_semaphore, #tpu.memory_space<semaphore_mem>>)
        %add3A_431 = arith.constant 2 : i32
        %add3A_432 = arith.addi %add3A_401, %add3A_431 : i32
        %lt3A_433 = arith.constant 80 : i32
        %lt3A_434 = arith.cmpi slt, %add3A_432, %lt3A_433 : i32
        %convert_element_type3A_435 = arith.extui %lt3A_434 : i1 to i32
        %cond3A_436 = arith.constant 0 : i32
        %cond3A_437 = arith.cmpi ne, %convert_element_type3A_435, %cond3A_436 : i32
        scf.if %cond3A_437 {
          %ge3A = arith.constant 4 : i32
          %ge3A_478 = arith.cmpi sge, %add3A_432, %ge3A : i32
          %convert_element_type3A_479 = arith.extui %ge3A_478 : i1 to i32
          %cond3A_480 = arith.constant 0 : i32
          %cond3A_481 = arith.cmpi ne, %convert_element_type3A_479, %cond3A_480 : i32
          scf.if %cond3A_481 {
            %add3A_494 = arith.addi %mul3A_44, %add3A_432 : i32
            %sub3A_495 = arith.constant 4 : i32
            %sub3A_496 = arith.subi %add3A_494, %sub3A_495 : i32
            %mul3A_497 = arith.constant 128 : i32
            %mul3A_498 = arith.muli %sub3A_496, %mul3A_497 : i32
            %add3A_499 = arith.addi %mul3A_4, %mul3A_498 : i32
            %dma_wait3A_500 = arith.constant 0 : i32
            %dma_wait3A_501 = arith.constant 0 : i32
            %dma_wait3A_502 = arith.constant 0 : i32
            %dma_wait3A_503 = tpu.memref_slice %arg6[%dma_wait3A_500, %dma_wait3A_501, %dma_wait3A_502] : memref<4x128x128xf32, #tpu.memory_space<vmem>> -> memref<1x128x128xf32, #tpu.memory_space<vmem>>
            %dma_wait3A_504 = tpu.memref_squeeze %dma_wait3A_503 : memref<1x128x128xf32, #tpu.memory_space<vmem>> -> memref<128x128xf32, #tpu.memory_space<vmem>>
            %dma_wait3A_505 = arith.constant 0 : i32
            %dma_wait3A_506 = tpu.memref_slice %arg4[%add3A_499, %dma_wait3A_505] : memref<3276800x128xf32, #tpu.memory_space<hbm>> -> memref<128x128xf32, #tpu.memory_space<hbm>>
            %dma_wait3A_507 = arith.constant 0 : i32
            %dma_wait3A_508 = tpu.memref_slice %arg4[%add3A_499, %dma_wait3A_507] : memref<3276800x128xf32, #tpu.memory_space<hbm>> -> memref<128x128xf32, #tpu.memory_space<hbm>>
            %dma_wait3A_509 = arith.constant 0 : i32
            %dma_wait3A_510 = arith.constant 0 : i32
            %dma_wait3A_511 = tpu.memref_slice %arg6[%dma_wait3A_500, %dma_wait3A_509, %dma_wait3A_510] : memref<4x128x128xf32, #tpu.memory_space<vmem>> -> memref<1x128x128xf32, #tpu.memory_space<vmem>>
            %dma_wait3A_512 = tpu.memref_squeeze %dma_wait3A_511 : memref<1x128x128xf32, #tpu.memory_space<vmem>> -> memref<128x128xf32, #tpu.memory_space<vmem>>
            tpu.wait_dma2 semaphore(%arg8 : memref<!tpu.dma_semaphore, #tpu.memory_space<semaphore_mem>>) src(%dma_wait3A_512 : memref<128x128xf32, #tpu.memory_space<vmem>>) dst(%dma_wait3A_508 : memref<128x128xf32, #tpu.memory_space<hbm>>)
          } else {
          }
          %dma_start3A_482 = arith.constant 0 : i32
          %dma_start3A_483 = arith.constant 0 : i32
          %dma_start3A_484 = arith.constant 0 : i32
          %dma_start3A_485 = arith.constant 0 : i32
          %dma_start3A_486 = tpu.memref_slice %arg6[%dma_start3A_483, %dma_start3A_484, %dma_start3A_485] : memref<4x128x128xf32, #tpu.memory_space<vmem>> -> memref<1x128x128xf32, #tpu.memory_space<vmem>>
          %dma_start3A_487 = tpu.memref_squeeze %dma_start3A_486 : memref<1x128x128xf32, #tpu.memory_space<vmem>> -> memref<128x128xf32, #tpu.memory_space<vmem>>
          %dma_start3A_488 = arith.constant 0 : i32
          %dma_start3A_489 = tpu.memref_slice %arg5[%dma_start3A_482, %add3A_432, %dma_start3A_488] : memref<2x80x128xi32, #tpu.memory_space<vmem>> -> memref<1x1x128xi32, #tpu.memory_space<vmem>>
          %dma_start3A_490 = tpu.memref_squeeze %dma_start3A_489 : memref<1x1x128xi32, #tpu.memory_space<vmem>> -> memref<128xi32, #tpu.memory_space<vmem>>
          %dma_start3A_491 = arith.constant 0 : i32
          %dma_start3A_492 = arith.constant 0 : i32
          %dma_start3A_493 = tpu.memref_slice %arg7[%dma_start3A_491, %dma_start3A_492] : memref<119x128xf32, #tpu.memory_space<vmem_shared>> -> memref<119x128xf32, #tpu.memory_space<vmem_shared>>
          tpu.enqueue_indirect_dma source(%dma_start3A_493 : memref<119x128xf32, #tpu.memory_space<vmem_shared>>) target(%dma_start3A_487 : memref<128x128xf32, #tpu.memory_space<vmem>>) offsets(%dma_start3A_490 : memref<128xi32, #tpu.memory_space<vmem>>) semaphore(%arg8 : memref<!tpu.dma_semaphore, #tpu.memory_space<semaphore_mem>>)
        } else {
        }
        %mul3A_438 = arith.constant 4 : i32
        %mul3A_439 = arith.muli %scan3A_317, %mul3A_438 : i32
        %add3A_440 = arith.constant 3 : i32
        %add3A_441 = arith.addi %mul3A_439, %add3A_440 : i32
        %dma_wait3A_442 = arith.constant 0 : i32
        %dma_wait3A_443 = arith.constant 3 : i32
        %dma_wait3A_444 = arith.constant 0 : i32
        %dma_wait3A_445 = arith.constant 0 : i32
        %dma_wait3A_446 = tpu.memref_slice %arg6[%dma_wait3A_443, %dma_wait3A_444, %dma_wait3A_445] : memref<4x128x128xf32, #tpu.memory_space<vmem>> -> memref<1x128x128xf32, #tpu.memory_space<vmem>>
        %dma_wait3A_447 = tpu.memref_squeeze %dma_wait3A_446 : memref<1x128x128xf32, #tpu.memory_space<vmem>> -> memref<128x128xf32, #tpu.memory_space<vmem>>
        %dma_wait3A_448 = arith.constant 0 : i32
        %dma_wait3A_449 = tpu.memref_slice %arg5[%dma_wait3A_442, %add3A_441, %dma_wait3A_448] : memref<2x80x128xi32, #tpu.memory_space<vmem>> -> memref<1x1x128xi32, #tpu.memory_space<vmem>>
        %dma_wait3A_450 = tpu.memref_squeeze %dma_wait3A_449 : memref<1x1x128xi32, #tpu.memory_space<vmem>> -> memref<128xi32, #tpu.memory_space<vmem>>
        %dma_wait3A_451 = arith.constant 0 : i32
        %dma_wait3A_452 = arith.constant 0 : i32
        %dma_wait3A_453 = tpu.memref_slice %arg7[%dma_wait3A_451, %dma_wait3A_452] : memref<119x128xf32, #tpu.memory_space<vmem_shared>> -> memref<119x128xf32, #tpu.memory_space<vmem_shared>>
        tpu.wait_indirect_dma semaphore(%arg11 : memref<!tpu.dma_semaphore, #tpu.memory_space<semaphore_mem>>) src(%dma_wait3A_453 : memref<119x128xf32, #tpu.memory_space<vmem_shared>>) dst(%dma_wait3A_447 : memref<128x128xf32, #tpu.memory_space<vmem>>)
        %add3A_454 = arith.addi %mul3A_44, %add3A_441 : i32
        %mul3A_455 = arith.constant 128 : i32
        %mul3A_456 = arith.muli %add3A_454, %mul3A_455 : i32
        %add3A_457 = arith.addi %mul3A_4, %mul3A_456 : i32
        %dma_start3A_458 = arith.constant 3 : i32
        %dma_start3A_459 = arith.constant 0 : i32
        %dma_start3A_460 = arith.constant 0 : i32
        %dma_start3A_461 = tpu.memref_slice %arg6[%dma_start3A_458, %dma_start3A_459, %dma_start3A_460] : memref<4x128x128xf32, #tpu.memory_space<vmem>> -> memref<1x128x128xf32, #tpu.memory_space<vmem>>
        %dma_start3A_462 = tpu.memref_squeeze %dma_start3A_461 : memref<1x128x128xf32, #tpu.memory_space<vmem>> -> memref<128x128xf32, #tpu.memory_space<vmem>>
        %dma_start3A_463 = arith.constant 0 : i32
        %dma_start3A_464 = tpu.memref_slice %arg4[%add3A_457, %dma_start3A_463] : memref<3276800x128xf32, #tpu.memory_space<hbm>> -> memref<128x128xf32, #tpu.memory_space<hbm>>
        %dma_start3A_465 = arith.constant 0 : i32
        %dma_start3A_466 = tpu.memref_slice %arg4[%add3A_457, %dma_start3A_465] : memref<3276800x128xf32, #tpu.memory_space<hbm>> -> memref<128x128xf32, #tpu.memory_space<hbm>>
        %dma_start3A_467 = arith.constant 0 : i32
        %dma_start3A_468 = arith.constant 0 : i32
        %dma_start3A_469 = tpu.memref_slice %arg6[%dma_start3A_458, %dma_start3A_467, %dma_start3A_468] : memref<4x128x128xf32, #tpu.memory_space<vmem>> -> memref<1x128x128xf32, #tpu.memory_space<vmem>>
        %dma_start3A_470 = tpu.memref_squeeze %dma_start3A_469 : memref<1x128x128xf32, #tpu.memory_space<vmem>> -> memref<128x128xf32, #tpu.memory_space<vmem>>
        tpu.enqueue_dma source(%dma_start3A_470 : memref<128x128xf32, #tpu.memory_space<vmem>>) target(%dma_start3A_466 : memref<128x128xf32, #tpu.memory_space<hbm>>) target_semaphore(%arg11 : memref<!tpu.dma_semaphore, #tpu.memory_space<semaphore_mem>>)
        %add3A_471 = arith.constant 2 : i32
        %add3A_472 = arith.addi %add3A_441, %add3A_471 : i32
        %lt3A_473 = arith.constant 80 : i32
        %lt3A_474 = arith.cmpi slt, %add3A_472, %lt3A_473 : i32
        %convert_element_type3A_475 = arith.extui %lt3A_474 : i1 to i32
        %cond3A_476 = arith.constant 0 : i32
        %cond3A_477 = arith.cmpi ne, %convert_element_type3A_475, %cond3A_476 : i32
        scf.if %cond3A_477 {
          %ge3A = arith.constant 4 : i32
          %ge3A_478 = arith.cmpi sge, %add3A_472, %ge3A : i32
          %convert_element_type3A_479 = arith.extui %ge3A_478 : i1 to i32
          %cond3A_480 = arith.constant 0 : i32
          %cond3A_481 = arith.cmpi ne, %convert_element_type3A_479, %cond3A_480 : i32
          scf.if %cond3A_481 {
            %add3A_494 = arith.addi %mul3A_44, %add3A_472 : i32
            %sub3A_495 = arith.constant 4 : i32
            %sub3A_496 = arith.subi %add3A_494, %sub3A_495 : i32
            %mul3A_497 = arith.constant 128 : i32
            %mul3A_498 = arith.muli %sub3A_496, %mul3A_497 : i32
            %add3A_499 = arith.addi %mul3A_4, %mul3A_498 : i32
            %dma_wait3A_500 = arith.constant 1 : i32
            %dma_wait3A_501 = arith.constant 0 : i32
            %dma_wait3A_502 = arith.constant 0 : i32
            %dma_wait3A_503 = tpu.memref_slice %arg6[%dma_wait3A_500, %dma_wait3A_501, %dma_wait3A_502] : memref<4x128x128xf32, #tpu.memory_space<vmem>> -> memref<1x128x128xf32, #tpu.memory_space<vmem>>
            %dma_wait3A_504 = tpu.memref_squeeze %dma_wait3A_503 : memref<1x128x128xf32, #tpu.memory_space<vmem>> -> memref<128x128xf32, #tpu.memory_space<vmem>>
            %dma_wait3A_505 = arith.constant 0 : i32
            %dma_wait3A_506 = tpu.memref_slice %arg4[%add3A_499, %dma_wait3A_505] : memref<3276800x128xf32, #tpu.memory_space<hbm>> -> memref<128x128xf32, #tpu.memory_space<hbm>>
            %dma_wait3A_507 = arith.constant 0 : i32
            %dma_wait3A_508 = tpu.memref_slice %arg4[%add3A_499, %dma_wait3A_507] : memref<3276800x128xf32, #tpu.memory_space<hbm>> -> memref<128x128xf32, #tpu.memory_space<hbm>>
            %dma_wait3A_509 = arith.constant 0 : i32
            %dma_wait3A_510 = arith.constant 0 : i32
            %dma_wait3A_511 = tpu.memref_slice %arg6[%dma_wait3A_500, %dma_wait3A_509, %dma_wait3A_510] : memref<4x128x128xf32, #tpu.memory_space<vmem>> -> memref<1x128x128xf32, #tpu.memory_space<vmem>>
            %dma_wait3A_512 = tpu.memref_squeeze %dma_wait3A_511 : memref<1x128x128xf32, #tpu.memory_space<vmem>> -> memref<128x128xf32, #tpu.memory_space<vmem>>
            tpu.wait_dma2 semaphore(%arg9 : memref<!tpu.dma_semaphore, #tpu.memory_space<semaphore_mem>>) src(%dma_wait3A_512 : memref<128x128xf32, #tpu.memory_space<vmem>>) dst(%dma_wait3A_508 : memref<128x128xf32, #tpu.memory_space<hbm>>)
          } else {
          }
          %dma_start3A_482 = arith.constant 0 : i32
          %dma_start3A_483 = arith.constant 1 : i32
          %dma_start3A_484 = arith.constant 0 : i32
          %dma_start3A_485 = arith.constant 0 : i32
          %dma_start3A_486 = tpu.memref_slice %arg6[%dma_start3A_483, %dma_start3A_484, %dma_start3A_485] : memref<4x128x128xf32, #tpu.memory_space<vmem>> -> memref<1x128x128xf32, #tpu.memory_space<vmem>>
          %dma_start3A_487 = tpu.memref_squeeze %dma_start3A_486 : memref<1x128x128xf32, #tpu.memory_space<vmem>> -> memref<128x128xf32, #tpu.memory_space<vmem>>
          %dma_start3A_488 = arith.constant 0 : i32
          %dma_start3A_489 = tpu.memref_slice %arg5[%dma_start3A_482, %add3A_472, %dma_start3A_488] : memref<2x80x128xi32, #tpu.memory_space<vmem>> -> memref<1x1x128xi32, #tpu.memory_space<vmem>>
          %dma_start3A_490 = tpu.memref_squeeze %dma_start3A_489 : memref<1x1x128xi32, #tpu.memory_space<vmem>> -> memref<128xi32, #tpu.memory_space<vmem>>
          %dma_start3A_491 = arith.constant 0 : i32
          %dma_start3A_492 = arith.constant 0 : i32
          %dma_start3A_493 = tpu.memref_slice %arg7[%dma_start3A_491, %dma_start3A_492] : memref<119x128xf32, #tpu.memory_space<vmem_shared>> -> memref<119x128xf32, #tpu.memory_space<vmem_shared>>
          tpu.enqueue_indirect_dma source(%dma_start3A_493 : memref<119x128xf32, #tpu.memory_space<vmem_shared>>) target(%dma_start3A_487 : memref<128x128xf32, #tpu.memory_space<vmem>>) offsets(%dma_start3A_490 : memref<128xi32, #tpu.memory_space<vmem>>) semaphore(%arg9 : memref<!tpu.dma_semaphore, #tpu.memory_space<semaphore_mem>>)
        } else {
        }
      }
      %scan3A_82 = arith.constant 20 : i32
      %add3A_83 = arith.constant 80 : i32
      %add3A_84 = arith.addi %mul3A_44, %add3A_83 : i32
      %sub3A = arith.constant 4 : i32
      %sub3A_85 = arith.subi %add3A_84, %sub3A : i32
      %add3A_86 = arith.constant 0 : i32
      %add3A_87 = arith.addi %sub3A_85, %add3A_86 : i32
      %mul3A_88 = arith.constant 128 : i32
      %mul3A_89 = arith.muli %add3A_87, %mul3A_88 : i32
      %add3A_90 = arith.addi %mul3A_4, %mul3A_89 : i32
      %dma_wait3A_91 = arith.constant 0 : i32
      %dma_wait3A_92 = arith.constant 0 : i32
      %dma_wait3A_93 = arith.constant 0 : i32
      %dma_wait3A_94 = tpu.memref_slice %arg6[%dma_wait3A_91, %dma_wait3A_92, %dma_wait3A_93] : memref<4x128x128xf32, #tpu.memory_space<vmem>> -> memref<1x128x128xf32, #tpu.memory_space<vmem>>
      %dma_wait3A_95 = tpu.memref_squeeze %dma_wait3A_94 : memref<1x128x128xf32, #tpu.memory_space<vmem>> -> memref<128x128xf32, #tpu.memory_space<vmem>>
      %dma_wait3A_96 = arith.constant 0 : i32
      %dma_wait3A_97 = tpu.memref_slice %arg4[%add3A_90, %dma_wait3A_96] : memref<3276800x128xf32, #tpu.memory_space<hbm>> -> memref<128x128xf32, #tpu.memory_space<hbm>>
      %dma_wait3A_98 = arith.constant 0 : i32
      %dma_wait3A_99 = tpu.memref_slice %arg4[%add3A_90, %dma_wait3A_98] : memref<3276800x128xf32, #tpu.memory_space<hbm>> -> memref<128x128xf32, #tpu.memory_space<hbm>>
      %dma_wait3A_100 = arith.constant 0 : i32
      %dma_wait3A_101 = arith.constant 0 : i32
      %dma_wait3A_102 = tpu.memref_slice %arg6[%dma_wait3A_91, %dma_wait3A_100, %dma_wait3A_101] : memref<4x128x128xf32, #tpu.memory_space<vmem>> -> memref<1x128x128xf32, #tpu.memory_space<vmem>>
      %dma_wait3A_103 = tpu.memref_squeeze %dma_wait3A_102 : memref<1x128x128xf32, #tpu.memory_space<vmem>> -> memref<128x128xf32, #tpu.memory_space<vmem>>
      tpu.wait_dma2 semaphore(%arg8 : memref<!tpu.dma_semaphore, #tpu.memory_space<semaphore_mem>>) src(%dma_wait3A_103 : memref<128x128xf32, #tpu.memory_space<vmem>>) dst(%dma_wait3A_99 : memref<128x128xf32, #tpu.memory_space<hbm>>)
      %add3A_104 = arith.constant 80 : i32
      %add3A_105 = arith.addi %mul3A_44, %add3A_104 : i32
      %sub3A_106 = arith.constant 4 : i32
      %sub3A_107 = arith.subi %add3A_105, %sub3A_106 : i32
      %add3A_108 = arith.constant 1 : i32
      %add3A_109 = arith.addi %sub3A_107, %add3A_108 : i32
      %mul3A_110 = arith.constant 128 : i32
      %mul3A_111 = arith.muli %add3A_109, %mul3A_110 : i32
      %add3A_112 = arith.addi %mul3A_4, %mul3A_111 : i32
      %dma_wait3A_113 = arith.constant 1 : i32
      %dma_wait3A_114 = arith.constant 0 : i32
      %dma_wait3A_115 = arith.constant 0 : i32
      %dma_wait3A_116 = tpu.memref_slice %arg6[%dma_wait3A_113, %dma_wait3A_114, %dma_wait3A_115] : memref<4x128x128xf32, #tpu.memory_space<vmem>> -> memref<1x128x128xf32, #tpu.memory_space<vmem>>
      %dma_wait3A_117 = tpu.memref_squeeze %dma_wait3A_116 : memref<1x128x128xf32, #tpu.memory_space<vmem>> -> memref<128x128xf32, #tpu.memory_space<vmem>>
      %dma_wait3A_118 = arith.constant 0 : i32
      %dma_wait3A_119 = tpu.memref_slice %arg4[%add3A_112, %dma_wait3A_118] : memref<3276800x128xf32, #tpu.memory_space<hbm>> -> memref<128x128xf32, #tpu.memory_space<hbm>>
      %dma_wait3A_120 = arith.constant 0 : i32
      %dma_wait3A_121 = tpu.memref_slice %arg4[%add3A_112, %dma_wait3A_120] : memref<3276800x128xf32, #tpu.memory_space<hbm>> -> memref<128x128xf32, #tpu.memory_space<hbm>>
      %dma_wait3A_122 = arith.constant 0 : i32
      %dma_wait3A_123 = arith.constant 0 : i32
      %dma_wait3A_124 = tpu.memref_slice %arg6[%dma_wait3A_113, %dma_wait3A_122, %dma_wait3A_123] : memref<4x128x128xf32, #tpu.memory_space<vmem>> -> memref<1x128x128xf32, #tpu.memory_space<vmem>>
      %dma_wait3A_125 = tpu.memref_squeeze %dma_wait3A_124 : memref<1x128x128xf32, #tpu.memory_space<vmem>> -> memref<128x128xf32, #tpu.memory_space<vmem>>
      tpu.wait_dma2 semaphore(%arg9 : memref<!tpu.dma_semaphore, #tpu.memory_space<semaphore_mem>>) src(%dma_wait3A_125 : memref<128x128xf32, #tpu.memory_space<vmem>>) dst(%dma_wait3A_121 : memref<128x128xf32, #tpu.memory_space<hbm>>)
      %add3A_126 = arith.constant 80 : i32
      %add3A_127 = arith.addi %mul3A_44, %add3A_126 : i32
      %sub3A_128 = arith.constant 4 : i32
      %sub3A_129 = arith.subi %add3A_127, %sub3A_128 : i32
      %add3A_130 = arith.constant 2 : i32
      %add3A_131 = arith.addi %sub3A_129, %add3A_130 : i32
      %mul3A_132 = arith.constant 128 : i32
      %mul3A_133 = arith.muli %add3A_131, %mul3A_132 : i32
      %add3A_134 = arith.addi %mul3A_4, %mul3A_133 : i32
      %dma_wait3A_135 = arith.constant 2 : i32
      %dma_wait3A_136 = arith.constant 0 : i32
      %dma_wait3A_137 = arith.constant 0 : i32
      %dma_wait3A_138 = tpu.memref_slice %arg6[%dma_wait3A_135, %dma_wait3A_136, %dma_wait3A_137] : memref<4x128x128xf32, #tpu.memory_space<vmem>> -> memref<1x128x128xf32, #tpu.memory_space<vmem>>
      %dma_wait3A_139 = tpu.memref_squeeze %dma_wait3A_138 : memref<1x128x128xf32, #tpu.memory_space<vmem>> -> memref<128x128xf32, #tpu.memory_space<vmem>>
      %dma_wait3A_140 = arith.constant 0 : i32
      %dma_wait3A_141 = tpu.memref_slice %arg4[%add3A_134, %dma_wait3A_140] : memref<3276800x128xf32, #tpu.memory_space<hbm>> -> memref<128x128xf32, #tpu.memory_space<hbm>>
      %dma_wait3A_142 = arith.constant 0 : i32
      %dma_wait3A_143 = tpu.memref_slice %arg4[%add3A_134, %dma_wait3A_142] : memref<3276800x128xf32, #tpu.memory_space<hbm>> -> memref<128x128xf32, #tpu.memory_space<hbm>>
      %dma_wait3A_144 = arith.constant 0 : i32
      %dma_wait3A_145 = arith.constant 0 : i32
      %dma_wait3A_146 = tpu.memref_slice %arg6[%dma_wait3A_135, %dma_wait3A_144, %dma_wait3A_145] : memref<4x128x128xf32, #tpu.memory_space<vmem>> -> memref<1x128x128xf32, #tpu.memory_space<vmem>>
      %dma_wait3A_147 = tpu.memref_squeeze %dma_wait3A_146 : memref<1x128x128xf32, #tpu.memory_space<vmem>> -> memref<128x128xf32, #tpu.memory_space<vmem>>
      tpu.wait_dma2 semaphore(%arg10 : memref<!tpu.dma_semaphore, #tpu.memory_space<semaphore_mem>>) src(%dma_wait3A_147 : memref<128x128xf32, #tpu.memory_space<vmem>>) dst(%dma_wait3A_143 : memref<128x128xf32, #tpu.memory_space<hbm>>)
      %add3A_148 = arith.constant 80 : i32
      %add3A_149 = arith.addi %mul3A_44, %add3A_148 : i32
      %sub3A_150 = arith.constant 4 : i32
      %sub3A_151 = arith.subi %add3A_149, %sub3A_150 : i32
      %add3A_152 = arith.constant 3 : i32
      %add3A_153 = arith.addi %sub3A_151, %add3A_152 : i32
      %mul3A_154 = arith.constant 128 : i32
      %mul3A_155 = arith.muli %add3A_153, %mul3A_154 : i32
      %add3A_156 = arith.addi %mul3A_4, %mul3A_155 : i32
      %dma_wait3A_157 = arith.constant 3 : i32
      %dma_wait3A_158 = arith.constant 0 : i32
      %dma_wait3A_159 = arith.constant 0 : i32
      %dma_wait3A_160 = tpu.memref_slice %arg6[%dma_wait3A_157, %dma_wait3A_158, %dma_wait3A_159] : memref<4x128x128xf32, #tpu.memory_space<vmem>> -> memref<1x128x128xf32, #tpu.memory_space<vmem>>
      %dma_wait3A_161 = tpu.memref_squeeze %dma_wait3A_160 : memref<1x128x128xf32, #tpu.memory_space<vmem>> -> memref<128x128xf32, #tpu.memory_space<vmem>>
      %dma_wait3A_162 = arith.constant 0 : i32
      %dma_wait3A_163 = tpu.memref_slice %arg4[%add3A_156, %dma_wait3A_162] : memref<3276800x128xf32, #tpu.memory_space<hbm>> -> memref<128x128xf32, #tpu.memory_space<hbm>>
      %dma_wait3A_164 = arith.constant 0 : i32
      %dma_wait3A_165 = tpu.memref_slice %arg4[%add3A_156, %dma_wait3A_164] : memref<3276800x128xf32, #tpu.memory_space<hbm>> -> memref<128x128xf32, #tpu.memory_space<hbm>>
      %dma_wait3A_166 = arith.constant 0 : i32
      %dma_wait3A_167 = arith.constant 0 : i32
      %dma_wait3A_168 = tpu.memref_slice %arg6[%dma_wait3A_157, %dma_wait3A_166, %dma_wait3A_167] : memref<4x128x128xf32, #tpu.memory_space<vmem>> -> memref<1x128x128xf32, #tpu.memory_space<vmem>>
      %dma_wait3A_169 = tpu.memref_squeeze %dma_wait3A_168 : memref<1x128x128xf32, #tpu.memory_space<vmem>> -> memref<128x128xf32, #tpu.memory_space<vmem>>
      tpu.wait_dma2 semaphore(%arg11 : memref<!tpu.dma_semaphore, #tpu.memory_space<semaphore_mem>>) src(%dma_wait3A_169 : memref<128x128xf32, #tpu.memory_space<vmem>>) dst(%dma_wait3A_165 : memref<128x128xf32, #tpu.memory_space<hbm>>)
      %add3A_170 = arith.constant 1 : i32
      %add3A_171 = arith.addi %mul3A_42, %add3A_170 : i32
      %lt3A_172 = arith.constant 10 : i32
      %lt3A_173 = arith.cmpi slt, %add3A_171, %lt3A_172 : i32
      %convert_element_type3A_174 = arith.extui %lt3A_173 : i1 to i32
      %cond3A_175 = arith.constant 0 : i32
      %cond3A_176 = arith.cmpi ne, %convert_element_type3A_174, %cond3A_175 : i32
      scf.if %cond3A_176 {
        %add3A_317 = arith.constant 1 : i32
        %add3A_318 = arith.addi %mul3A_42, %add3A_317 : i32
        %mul3A_319 = arith.constant 80 : i32
        %mul3A_320 = arith.muli %add3A_318, %mul3A_319 : i32
        %add3A_321 = arith.addi %mul3A_2, %mul3A_320 : i32
        %dma_wait3A_322 = arith.constant 1 : i32
        %dma_wait3A_323 = arith.constant 0 : i32
        %dma_wait3A_324 = arith.constant 0 : i32
        %dma_wait3A_325 = tpu.memref_slice %arg5[%dma_wait3A_322, %dma_wait3A_323, %dma_wait3A_324] : memref<2x80x128xi32, #tpu.memory_space<vmem>> -> memref<1x80x128xi32, #tpu.memory_space<vmem>>
        %dma_wait3A_326 = tpu.memref_squeeze %dma_wait3A_325 : memref<1x80x128xi32, #tpu.memory_space<vmem>> -> memref<80x128xi32, #tpu.memory_space<vmem>>
        %dma_wait3A_327 = arith.constant 0 : i32
        %dma_wait3A_328 = tpu.memref_slice %arg2[%add3A_321, %dma_wait3A_327] : memref<25600x128xi32, #tpu.memory_space<hbm>> -> memref<80x128xi32, #tpu.memory_space<hbm>>
        %dma_wait3A_329 = arith.constant 0 : i32
        %dma_wait3A_330 = arith.constant 0 : i32
        %dma_wait3A_331 = tpu.memref_slice %arg5[%dma_wait3A_322, %dma_wait3A_329, %dma_wait3A_330] : memref<2x80x128xi32, #tpu.memory_space<vmem>> -> memref<1x80x128xi32, #tpu.memory_space<vmem>>
        %dma_wait3A_332 = tpu.memref_squeeze %dma_wait3A_331 : memref<1x80x128xi32, #tpu.memory_space<vmem>> -> memref<80x128xi32, #tpu.memory_space<vmem>>
        %dma_wait3A_333 = arith.constant 0 : i32
        %dma_wait3A_334 = tpu.memref_slice %arg2[%add3A_321, %dma_wait3A_333] : memref<25600x128xi32, #tpu.memory_space<hbm>> -> memref<80x128xi32, #tpu.memory_space<hbm>>
        tpu.wait_dma2 semaphore(%arg12 : memref<!tpu.dma_semaphore, #tpu.memory_space<semaphore_mem>>) src(%dma_wait3A_334 : memref<80x128xi32, #tpu.memory_space<hbm>>) dst(%dma_wait3A_332 : memref<80x128xi32, #tpu.memory_space<vmem>>)
      } else {
      }
      %mul3A_177 = arith.constant 2 : i32
      %mul3A_178 = arith.muli %scan3A_40, %mul3A_177 : i32
      %add3A_179 = arith.constant 1 : i32
      %add3A_180 = arith.addi %mul3A_178, %add3A_179 : i32
      %mul3A_181 = arith.constant 80 : i32
      %mul3A_182 = arith.muli %add3A_180, %mul3A_181 : i32
      %add3A_183 = arith.constant 1 : i32
      %add3A_184 = arith.addi %add3A_180, %add3A_183 : i32
      %lt3A_185 = arith.constant 10 : i32
      %lt3A_186 = arith.cmpi slt, %add3A_184, %lt3A_185 : i32
      %convert_element_type3A_187 = arith.extui %lt3A_186 : i1 to i32
      %cond3A_188 = arith.constant 0 : i32
      %cond3A_189 = arith.cmpi ne, %convert_element_type3A_187, %cond3A_188 : i32
      scf.if %cond3A_189 {
        %add3A_317 = arith.constant 1 : i32
        %add3A_318 = arith.addi %add3A_180, %add3A_317 : i32
        %mul3A_319 = arith.constant 80 : i32
        %mul3A_320 = arith.muli %add3A_318, %mul3A_319 : i32
        %add3A_321 = arith.addi %mul3A_2, %mul3A_320 : i32
        %dma_start3A_322 = arith.constant 0 : i32
        %dma_start3A_323 = arith.constant 0 : i32
        %dma_start3A_324 = arith.constant 0 : i32
        %dma_start3A_325 = tpu.memref_slice %arg5[%dma_start3A_322, %dma_start3A_323, %dma_start3A_324] : memref<2x80x128xi32, #tpu.memory_space<vmem>> -> memref<1x80x128xi32, #tpu.memory_space<vmem>>
        %dma_start3A_326 = tpu.memref_squeeze %dma_start3A_325 : memref<1x80x128xi32, #tpu.memory_space<vmem>> -> memref<80x128xi32, #tpu.memory_space<vmem>>
        %dma_start3A_327 = arith.constant 0 : i32
        %dma_start3A_328 = tpu.memref_slice %arg2[%add3A_321, %dma_start3A_327] : memref<25600x128xi32, #tpu.memory_space<hbm>> -> memref<80x128xi32, #tpu.memory_space<hbm>>
        %dma_start3A_329 = arith.constant 0 : i32
        %dma_start3A_330 = arith.constant 0 : i32
        %dma_start3A_331 = tpu.memref_slice %arg5[%dma_start3A_322, %dma_start3A_329, %dma_start3A_330] : memref<2x80x128xi32, #tpu.memory_space<vmem>> -> memref<1x80x128xi32, #tpu.memory_space<vmem>>
        %dma_start3A_332 = tpu.memref_squeeze %dma_start3A_331 : memref<1x80x128xi32, #tpu.memory_space<vmem>> -> memref<80x128xi32, #tpu.memory_space<vmem>>
        %dma_start3A_333 = arith.constant 0 : i32
        %dma_start3A_334 = tpu.memref_slice %arg2[%add3A_321, %dma_start3A_333] : memref<25600x128xi32, #tpu.memory_space<hbm>> -> memref<80x128xi32, #tpu.memory_space<hbm>>
        tpu.enqueue_dma source(%dma_start3A_334 : memref<80x128xi32, #tpu.memory_space<hbm>>) target(%dma_start3A_332 : memref<80x128xi32, #tpu.memory_space<vmem>>) target_semaphore(%arg12 : memref<!tpu.dma_semaphore, #tpu.memory_space<semaphore_mem>>)
      } else {
      }
      %dma_start3A_190 = arith.constant 1 : i32
      %dma_start3A_191 = arith.constant 0 : i32
      %dma_start3A_192 = arith.constant 0 : i32
      %dma_start3A_193 = arith.constant 0 : i32
      %dma_start3A_194 = arith.constant 0 : i32
      %dma_start3A_195 = tpu.memref_slice %arg6[%dma_start3A_192, %dma_start3A_193, %dma_start3A_194] : memref<4x128x128xf32, #tpu.memory_space<vmem>> -> memref<1x128x128xf32, #tpu.memory_space<vmem>>
      %dma_start3A_196 = tpu.memref_squeeze %dma_start3A_195 : memref<1x128x128xf32, #tpu.memory_space<vmem>> -> memref<128x128xf32, #tpu.memory_space<vmem>>
      %dma_start3A_197 = arith.constant 0 : i32
      %dma_start3A_198 = tpu.memref_slice %arg5[%dma_start3A_190, %dma_start3A_191, %dma_start3A_197] : memref<2x80x128xi32, #tpu.memory_space<vmem>> -> memref<1x1x128xi32, #tpu.memory_space<vmem>>
      %dma_start3A_199 = tpu.memref_squeeze %dma_start3A_198 : memref<1x1x128xi32, #tpu.memory_space<vmem>> -> memref<128xi32, #tpu.memory_space<vmem>>
      %dma_start3A_200 = arith.constant 0 : i32
      %dma_start3A_201 = arith.constant 0 : i32
      %dma_start3A_202 = tpu.memref_slice %arg7[%dma_start3A_200, %dma_start3A_201] : memref<119x128xf32, #tpu.memory_space<vmem_shared>> -> memref<119x128xf32, #tpu.memory_space<vmem_shared>>
      tpu.enqueue_indirect_dma source(%dma_start3A_202 : memref<119x128xf32, #tpu.memory_space<vmem_shared>>) target(%dma_start3A_196 : memref<128x128xf32, #tpu.memory_space<vmem>>) offsets(%dma_start3A_199 : memref<128xi32, #tpu.memory_space<vmem>>) semaphore(%arg8 : memref<!tpu.dma_semaphore, #tpu.memory_space<semaphore_mem>>)
      %dma_start3A_203 = arith.constant 1 : i32
      %dma_start3A_204 = arith.constant 1 : i32
      %dma_start3A_205 = arith.constant 1 : i32
      %dma_start3A_206 = arith.constant 0 : i32
      %dma_start3A_207 = arith.constant 0 : i32
      %dma_start3A_208 = tpu.memref_slice %arg6[%dma_start3A_205, %dma_start3A_206, %dma_start3A_207] : memref<4x128x128xf32, #tpu.memory_space<vmem>> -> memref<1x128x128xf32, #tpu.memory_space<vmem>>
      %dma_start3A_209 = tpu.memref_squeeze %dma_start3A_208 : memref<1x128x128xf32, #tpu.memory_space<vmem>> -> memref<128x128xf32, #tpu.memory_space<vmem>>
      %dma_start3A_210 = arith.constant 0 : i32
      %dma_start3A_211 = tpu.memref_slice %arg5[%dma_start3A_203, %dma_start3A_204, %dma_start3A_210] : memref<2x80x128xi32, #tpu.memory_space<vmem>> -> memref<1x1x128xi32, #tpu.memory_space<vmem>>
      %dma_start3A_212 = tpu.memref_squeeze %dma_start3A_211 : memref<1x1x128xi32, #tpu.memory_space<vmem>> -> memref<128xi32, #tpu.memory_space<vmem>>
      %dma_start3A_213 = arith.constant 0 : i32
      %dma_start3A_214 = arith.constant 0 : i32
      %dma_start3A_215 = tpu.memref_slice %arg7[%dma_start3A_213, %dma_start3A_214] : memref<119x128xf32, #tpu.memory_space<vmem_shared>> -> memref<119x128xf32, #tpu.memory_space<vmem_shared>>
      tpu.enqueue_indirect_dma source(%dma_start3A_215 : memref<119x128xf32, #tpu.memory_space<vmem_shared>>) target(%dma_start3A_209 : memref<128x128xf32, #tpu.memory_space<vmem>>) offsets(%dma_start3A_212 : memref<128xi32, #tpu.memory_space<vmem>>) semaphore(%arg9 : memref<!tpu.dma_semaphore, #tpu.memory_space<semaphore_mem>>)
      %scan3A_216 = arith.constant 0 : i32
      %scan3A_217 = arith.constant 0 : i32
      %scan3A_218 = arith.constant 20 : i32
      %scan3A_219 = arith.addi %scan3A_217, %scan3A_218 : i32
      %scan3A_220 = arith.constant 1 : i32
      scf.for %scan3A_317 = %scan3A_217 to %scan3A_219 step %scan3A_220  : i32 {
        %mul3A_318 = arith.constant 4 : i32
        %mul3A_319 = arith.muli %scan3A_317, %mul3A_318 : i32
        %add3A_320 = arith.constant 0 : i32
        %add3A_321 = arith.addi %mul3A_319, %add3A_320 : i32
        %dma_wait3A_322 = arith.constant 1 : i32
        %dma_wait3A_323 = arith.constant 0 : i32
        %dma_wait3A_324 = arith.constant 0 : i32
        %dma_wait3A_325 = arith.constant 0 : i32
        %dma_wait3A_326 = tpu.memref_slice %arg6[%dma_wait3A_323, %dma_wait3A_324, %dma_wait3A_325] : memref<4x128x128xf32, #tpu.memory_space<vmem>> -> memref<1x128x128xf32, #tpu.memory_space<vmem>>
        %dma_wait3A_327 = tpu.memref_squeeze %dma_wait3A_326 : memref<1x128x128xf32, #tpu.memory_space<vmem>> -> memref<128x128xf32, #tpu.memory_space<vmem>>
        %dma_wait3A_328 = arith.constant 0 : i32
        %dma_wait3A_329 = tpu.memref_slice %arg5[%dma_wait3A_322, %add3A_321, %dma_wait3A_328] : memref<2x80x128xi32, #tpu.memory_space<vmem>> -> memref<1x1x128xi32, #tpu.memory_space<vmem>>
        %dma_wait3A_330 = tpu.memref_squeeze %dma_wait3A_329 : memref<1x1x128xi32, #tpu.memory_space<vmem>> -> memref<128xi32, #tpu.memory_space<vmem>>
        %dma_wait3A_331 = arith.constant 0 : i32
        %dma_wait3A_332 = arith.constant 0 : i32
        %dma_wait3A_333 = tpu.memref_slice %arg7[%dma_wait3A_331, %dma_wait3A_332] : memref<119x128xf32, #tpu.memory_space<vmem_shared>> -> memref<119x128xf32, #tpu.memory_space<vmem_shared>>
        tpu.wait_indirect_dma semaphore(%arg8 : memref<!tpu.dma_semaphore, #tpu.memory_space<semaphore_mem>>) src(%dma_wait3A_333 : memref<119x128xf32, #tpu.memory_space<vmem_shared>>) dst(%dma_wait3A_327 : memref<128x128xf32, #tpu.memory_space<vmem>>)
        %add3A_334 = arith.addi %mul3A_182, %add3A_321 : i32
        %mul3A_335 = arith.constant 128 : i32
        %mul3A_336 = arith.muli %add3A_334, %mul3A_335 : i32
        %add3A_337 = arith.addi %mul3A_4, %mul3A_336 : i32
        %dma_start3A_338 = arith.constant 0 : i32
        %dma_start3A_339 = arith.constant 0 : i32
        %dma_start3A_340 = arith.constant 0 : i32
        %dma_start3A_341 = tpu.memref_slice %arg6[%dma_start3A_338, %dma_start3A_339, %dma_start3A_340] : memref<4x128x128xf32, #tpu.memory_space<vmem>> -> memref<1x128x128xf32, #tpu.memory_space<vmem>>
        %dma_start3A_342 = tpu.memref_squeeze %dma_start3A_341 : memref<1x128x128xf32, #tpu.memory_space<vmem>> -> memref<128x128xf32, #tpu.memory_space<vmem>>
        %dma_start3A_343 = arith.constant 0 : i32
        %dma_start3A_344 = tpu.memref_slice %arg4[%add3A_337, %dma_start3A_343] : memref<3276800x128xf32, #tpu.memory_space<hbm>> -> memref<128x128xf32, #tpu.memory_space<hbm>>
        %dma_start3A_345 = arith.constant 0 : i32
        %dma_start3A_346 = tpu.memref_slice %arg4[%add3A_337, %dma_start3A_345] : memref<3276800x128xf32, #tpu.memory_space<hbm>> -> memref<128x128xf32, #tpu.memory_space<hbm>>
        %dma_start3A_347 = arith.constant 0 : i32
        %dma_start3A_348 = arith.constant 0 : i32
        %dma_start3A_349 = tpu.memref_slice %arg6[%dma_start3A_338, %dma_start3A_347, %dma_start3A_348] : memref<4x128x128xf32, #tpu.memory_space<vmem>> -> memref<1x128x128xf32, #tpu.memory_space<vmem>>
        %dma_start3A_350 = tpu.memref_squeeze %dma_start3A_349 : memref<1x128x128xf32, #tpu.memory_space<vmem>> -> memref<128x128xf32, #tpu.memory_space<vmem>>
        tpu.enqueue_dma source(%dma_start3A_350 : memref<128x128xf32, #tpu.memory_space<vmem>>) target(%dma_start3A_346 : memref<128x128xf32, #tpu.memory_space<hbm>>) target_semaphore(%arg8 : memref<!tpu.dma_semaphore, #tpu.memory_space<semaphore_mem>>)
        %add3A_351 = arith.constant 2 : i32
        %add3A_352 = arith.addi %add3A_321, %add3A_351 : i32
        %lt3A_353 = arith.constant 80 : i32
        %lt3A_354 = arith.cmpi slt, %add3A_352, %lt3A_353 : i32
        %convert_element_type3A_355 = arith.extui %lt3A_354 : i1 to i32
        %cond3A_356 = arith.constant 0 : i32
        %cond3A_357 = arith.cmpi ne, %convert_element_type3A_355, %cond3A_356 : i32
        scf.if %cond3A_357 {
          %ge3A = arith.constant 4 : i32
          %ge3A_478 = arith.cmpi sge, %add3A_352, %ge3A : i32
          %convert_element_type3A_479 = arith.extui %ge3A_478 : i1 to i32
          %cond3A_480 = arith.constant 0 : i32
          %cond3A_481 = arith.cmpi ne, %convert_element_type3A_479, %cond3A_480 : i32
          scf.if %cond3A_481 {
            %add3A_494 = arith.addi %mul3A_182, %add3A_352 : i32
            %sub3A_495 = arith.constant 4 : i32
            %sub3A_496 = arith.subi %add3A_494, %sub3A_495 : i32
            %mul3A_497 = arith.constant 128 : i32
            %mul3A_498 = arith.muli %sub3A_496, %mul3A_497 : i32
            %add3A_499 = arith.addi %mul3A_4, %mul3A_498 : i32
            %dma_wait3A_500 = arith.constant 2 : i32
            %dma_wait3A_501 = arith.constant 0 : i32
            %dma_wait3A_502 = arith.constant 0 : i32
            %dma_wait3A_503 = tpu.memref_slice %arg6[%dma_wait3A_500, %dma_wait3A_501, %dma_wait3A_502] : memref<4x128x128xf32, #tpu.memory_space<vmem>> -> memref<1x128x128xf32, #tpu.memory_space<vmem>>
            %dma_wait3A_504 = tpu.memref_squeeze %dma_wait3A_503 : memref<1x128x128xf32, #tpu.memory_space<vmem>> -> memref<128x128xf32, #tpu.memory_space<vmem>>
            %dma_wait3A_505 = arith.constant 0 : i32
            %dma_wait3A_506 = tpu.memref_slice %arg4[%add3A_499, %dma_wait3A_505] : memref<3276800x128xf32, #tpu.memory_space<hbm>> -> memref<128x128xf32, #tpu.memory_space<hbm>>
            %dma_wait3A_507 = arith.constant 0 : i32
            %dma_wait3A_508 = tpu.memref_slice %arg4[%add3A_499, %dma_wait3A_507] : memref<3276800x128xf32, #tpu.memory_space<hbm>> -> memref<128x128xf32, #tpu.memory_space<hbm>>
            %dma_wait3A_509 = arith.constant 0 : i32
            %dma_wait3A_510 = arith.constant 0 : i32
            %dma_wait3A_511 = tpu.memref_slice %arg6[%dma_wait3A_500, %dma_wait3A_509, %dma_wait3A_510] : memref<4x128x128xf32, #tpu.memory_space<vmem>> -> memref<1x128x128xf32, #tpu.memory_space<vmem>>
            %dma_wait3A_512 = tpu.memref_squeeze %dma_wait3A_511 : memref<1x128x128xf32, #tpu.memory_space<vmem>> -> memref<128x128xf32, #tpu.memory_space<vmem>>
            tpu.wait_dma2 semaphore(%arg10 : memref<!tpu.dma_semaphore, #tpu.memory_space<semaphore_mem>>) src(%dma_wait3A_512 : memref<128x128xf32, #tpu.memory_space<vmem>>) dst(%dma_wait3A_508 : memref<128x128xf32, #tpu.memory_space<hbm>>)
          } else {
          }
          %dma_start3A_482 = arith.constant 1 : i32
          %dma_start3A_483 = arith.constant 2 : i32
          %dma_start3A_484 = arith.constant 0 : i32
          %dma_start3A_485 = arith.constant 0 : i32
          %dma_start3A_486 = tpu.memref_slice %arg6[%dma_start3A_483, %dma_start3A_484, %dma_start3A_485] : memref<4x128x128xf32, #tpu.memory_space<vmem>> -> memref<1x128x128xf32, #tpu.memory_space<vmem>>
          %dma_start3A_487 = tpu.memref_squeeze %dma_start3A_486 : memref<1x128x128xf32, #tpu.memory_space<vmem>> -> memref<128x128xf32, #tpu.memory_space<vmem>>
          %dma_start3A_488 = arith.constant 0 : i32
          %dma_start3A_489 = tpu.memref_slice %arg5[%dma_start3A_482, %add3A_352, %dma_start3A_488] : memref<2x80x128xi32, #tpu.memory_space<vmem>> -> memref<1x1x128xi32, #tpu.memory_space<vmem>>
          %dma_start3A_490 = tpu.memref_squeeze %dma_start3A_489 : memref<1x1x128xi32, #tpu.memory_space<vmem>> -> memref<128xi32, #tpu.memory_space<vmem>>
          %dma_start3A_491 = arith.constant 0 : i32
          %dma_start3A_492 = arith.constant 0 : i32
          %dma_start3A_493 = tpu.memref_slice %arg7[%dma_start3A_491, %dma_start3A_492] : memref<119x128xf32, #tpu.memory_space<vmem_shared>> -> memref<119x128xf32, #tpu.memory_space<vmem_shared>>
          tpu.enqueue_indirect_dma source(%dma_start3A_493 : memref<119x128xf32, #tpu.memory_space<vmem_shared>>) target(%dma_start3A_487 : memref<128x128xf32, #tpu.memory_space<vmem>>) offsets(%dma_start3A_490 : memref<128xi32, #tpu.memory_space<vmem>>) semaphore(%arg10 : memref<!tpu.dma_semaphore, #tpu.memory_space<semaphore_mem>>)
        } else {
        }
        %mul3A_358 = arith.constant 4 : i32
        %mul3A_359 = arith.muli %scan3A_317, %mul3A_358 : i32
        %add3A_360 = arith.constant 1 : i32
        %add3A_361 = arith.addi %mul3A_359, %add3A_360 : i32
        %dma_wait3A_362 = arith.constant 1 : i32
        %dma_wait3A_363 = arith.constant 1 : i32
        %dma_wait3A_364 = arith.constant 0 : i32
        %dma_wait3A_365 = arith.constant 0 : i32
        %dma_wait3A_366 = tpu.memref_slice %arg6[%dma_wait3A_363, %dma_wait3A_364, %dma_wait3A_365] : memref<4x128x128xf32, #tpu.memory_space<vmem>> -> memref<1x128x128xf32, #tpu.memory_space<vmem>>
        %dma_wait3A_367 = tpu.memref_squeeze %dma_wait3A_366 : memref<1x128x128xf32, #tpu.memory_space<vmem>> -> memref<128x128xf32, #tpu.memory_space<vmem>>
        %dma_wait3A_368 = arith.constant 0 : i32
        %dma_wait3A_369 = tpu.memref_slice %arg5[%dma_wait3A_362, %add3A_361, %dma_wait3A_368] : memref<2x80x128xi32, #tpu.memory_space<vmem>> -> memref<1x1x128xi32, #tpu.memory_space<vmem>>
        %dma_wait3A_370 = tpu.memref_squeeze %dma_wait3A_369 : memref<1x1x128xi32, #tpu.memory_space<vmem>> -> memref<128xi32, #tpu.memory_space<vmem>>
        %dma_wait3A_371 = arith.constant 0 : i32
        %dma_wait3A_372 = arith.constant 0 : i32
        %dma_wait3A_373 = tpu.memref_slice %arg7[%dma_wait3A_371, %dma_wait3A_372] : memref<119x128xf32, #tpu.memory_space<vmem_shared>> -> memref<119x128xf32, #tpu.memory_space<vmem_shared>>
        tpu.wait_indirect_dma semaphore(%arg9 : memref<!tpu.dma_semaphore, #tpu.memory_space<semaphore_mem>>) src(%dma_wait3A_373 : memref<119x128xf32, #tpu.memory_space<vmem_shared>>) dst(%dma_wait3A_367 : memref<128x128xf32, #tpu.memory_space<vmem>>)
        %add3A_374 = arith.addi %mul3A_182, %add3A_361 : i32
        %mul3A_375 = arith.constant 128 : i32
        %mul3A_376 = arith.muli %add3A_374, %mul3A_375 : i32
        %add3A_377 = arith.addi %mul3A_4, %mul3A_376 : i32
        %dma_start3A_378 = arith.constant 1 : i32
        %dma_start3A_379 = arith.constant 0 : i32
        %dma_start3A_380 = arith.constant 0 : i32
        %dma_start3A_381 = tpu.memref_slice %arg6[%dma_start3A_378, %dma_start3A_379, %dma_start3A_380] : memref<4x128x128xf32, #tpu.memory_space<vmem>> -> memref<1x128x128xf32, #tpu.memory_space<vmem>>
        %dma_start3A_382 = tpu.memref_squeeze %dma_start3A_381 : memref<1x128x128xf32, #tpu.memory_space<vmem>> -> memref<128x128xf32, #tpu.memory_space<vmem>>
        %dma_start3A_383 = arith.constant 0 : i32
        %dma_start3A_384 = tpu.memref_slice %arg4[%add3A_377, %dma_start3A_383] : memref<3276800x128xf32, #tpu.memory_space<hbm>> -> memref<128x128xf32, #tpu.memory_space<hbm>>
        %dma_start3A_385 = arith.constant 0 : i32
        %dma_start3A_386 = tpu.memref_slice %arg4[%add3A_377, %dma_start3A_385] : memref<3276800x128xf32, #tpu.memory_space<hbm>> -> memref<128x128xf32, #tpu.memory_space<hbm>>
        %dma_start3A_387 = arith.constant 0 : i32
        %dma_start3A_388 = arith.constant 0 : i32
        %dma_start3A_389 = tpu.memref_slice %arg6[%dma_start3A_378, %dma_start3A_387, %dma_start3A_388] : memref<4x128x128xf32, #tpu.memory_space<vmem>> -> memref<1x128x128xf32, #tpu.memory_space<vmem>>
        %dma_start3A_390 = tpu.memref_squeeze %dma_start3A_389 : memref<1x128x128xf32, #tpu.memory_space<vmem>> -> memref<128x128xf32, #tpu.memory_space<vmem>>
        tpu.enqueue_dma source(%dma_start3A_390 : memref<128x128xf32, #tpu.memory_space<vmem>>) target(%dma_start3A_386 : memref<128x128xf32, #tpu.memory_space<hbm>>) target_semaphore(%arg9 : memref<!tpu.dma_semaphore, #tpu.memory_space<semaphore_mem>>)
        %add3A_391 = arith.constant 2 : i32
        %add3A_392 = arith.addi %add3A_361, %add3A_391 : i32
        %lt3A_393 = arith.constant 80 : i32
        %lt3A_394 = arith.cmpi slt, %add3A_392, %lt3A_393 : i32
        %convert_element_type3A_395 = arith.extui %lt3A_394 : i1 to i32
        %cond3A_396 = arith.constant 0 : i32
        %cond3A_397 = arith.cmpi ne, %convert_element_type3A_395, %cond3A_396 : i32
        scf.if %cond3A_397 {
          %ge3A = arith.constant 4 : i32
          %ge3A_478 = arith.cmpi sge, %add3A_392, %ge3A : i32
          %convert_element_type3A_479 = arith.extui %ge3A_478 : i1 to i32
          %cond3A_480 = arith.constant 0 : i32
          %cond3A_481 = arith.cmpi ne, %convert_element_type3A_479, %cond3A_480 : i32
          scf.if %cond3A_481 {
            %add3A_494 = arith.addi %mul3A_182, %add3A_392 : i32
            %sub3A_495 = arith.constant 4 : i32
            %sub3A_496 = arith.subi %add3A_494, %sub3A_495 : i32
            %mul3A_497 = arith.constant 128 : i32
            %mul3A_498 = arith.muli %sub3A_496, %mul3A_497 : i32
            %add3A_499 = arith.addi %mul3A_4, %mul3A_498 : i32
            %dma_wait3A_500 = arith.constant 3 : i32
            %dma_wait3A_501 = arith.constant 0 : i32
            %dma_wait3A_502 = arith.constant 0 : i32
            %dma_wait3A_503 = tpu.memref_slice %arg6[%dma_wait3A_500, %dma_wait3A_501, %dma_wait3A_502] : memref<4x128x128xf32, #tpu.memory_space<vmem>> -> memref<1x128x128xf32, #tpu.memory_space<vmem>>
            %dma_wait3A_504 = tpu.memref_squeeze %dma_wait3A_503 : memref<1x128x128xf32, #tpu.memory_space<vmem>> -> memref<128x128xf32, #tpu.memory_space<vmem>>
            %dma_wait3A_505 = arith.constant 0 : i32
            %dma_wait3A_506 = tpu.memref_slice %arg4[%add3A_499, %dma_wait3A_505] : memref<3276800x128xf32, #tpu.memory_space<hbm>> -> memref<128x128xf32, #tpu.memory_space<hbm>>
            %dma_wait3A_507 = arith.constant 0 : i32
            %dma_wait3A_508 = tpu.memref_slice %arg4[%add3A_499, %dma_wait3A_507] : memref<3276800x128xf32, #tpu.memory_space<hbm>> -> memref<128x128xf32, #tpu.memory_space<hbm>>
            %dma_wait3A_509 = arith.constant 0 : i32
            %dma_wait3A_510 = arith.constant 0 : i32
            %dma_wait3A_511 = tpu.memref_slice %arg6[%dma_wait3A_500, %dma_wait3A_509, %dma_wait3A_510] : memref<4x128x128xf32, #tpu.memory_space<vmem>> -> memref<1x128x128xf32, #tpu.memory_space<vmem>>
            %dma_wait3A_512 = tpu.memref_squeeze %dma_wait3A_511 : memref<1x128x128xf32, #tpu.memory_space<vmem>> -> memref<128x128xf32, #tpu.memory_space<vmem>>
            tpu.wait_dma2 semaphore(%arg11 : memref<!tpu.dma_semaphore, #tpu.memory_space<semaphore_mem>>) src(%dma_wait3A_512 : memref<128x128xf32, #tpu.memory_space<vmem>>) dst(%dma_wait3A_508 : memref<128x128xf32, #tpu.memory_space<hbm>>)
          } else {
          }
          %dma_start3A_482 = arith.constant 1 : i32
          %dma_start3A_483 = arith.constant 3 : i32
          %dma_start3A_484 = arith.constant 0 : i32
          %dma_start3A_485 = arith.constant 0 : i32
          %dma_start3A_486 = tpu.memref_slice %arg6[%dma_start3A_483, %dma_start3A_484, %dma_start3A_485] : memref<4x128x128xf32, #tpu.memory_space<vmem>> -> memref<1x128x128xf32, #tpu.memory_space<vmem>>
          %dma_start3A_487 = tpu.memref_squeeze %dma_start3A_486 : memref<1x128x128xf32, #tpu.memory_space<vmem>> -> memref<128x128xf32, #tpu.memory_space<vmem>>
          %dma_start3A_488 = arith.constant 0 : i32
          %dma_start3A_489 = tpu.memref_slice %arg5[%dma_start3A_482, %add3A_392, %dma_start3A_488] : memref<2x80x128xi32, #tpu.memory_space<vmem>> -> memref<1x1x128xi32, #tpu.memory_space<vmem>>
          %dma_start3A_490 = tpu.memref_squeeze %dma_start3A_489 : memref<1x1x128xi32, #tpu.memory_space<vmem>> -> memref<128xi32, #tpu.memory_space<vmem>>
          %dma_start3A_491 = arith.constant 0 : i32
          %dma_start3A_492 = arith.constant 0 : i32
          %dma_start3A_493 = tpu.memref_slice %arg7[%dma_start3A_491, %dma_start3A_492] : memref<119x128xf32, #tpu.memory_space<vmem_shared>> -> memref<119x128xf32, #tpu.memory_space<vmem_shared>>
          tpu.enqueue_indirect_dma source(%dma_start3A_493 : memref<119x128xf32, #tpu.memory_space<vmem_shared>>) target(%dma_start3A_487 : memref<128x128xf32, #tpu.memory_space<vmem>>) offsets(%dma_start3A_490 : memref<128xi32, #tpu.memory_space<vmem>>) semaphore(%arg11 : memref<!tpu.dma_semaphore, #tpu.memory_space<semaphore_mem>>)
        } else {
        }
        %mul3A_398 = arith.constant 4 : i32
        %mul3A_399 = arith.muli %scan3A_317, %mul3A_398 : i32
        %add3A_400 = arith.constant 2 : i32
        %add3A_401 = arith.addi %mul3A_399, %add3A_400 : i32
        %dma_wait3A_402 = arith.constant 1 : i32
        %dma_wait3A_403 = arith.constant 2 : i32
        %dma_wait3A_404 = arith.constant 0 : i32
        %dma_wait3A_405 = arith.constant 0 : i32
        %dma_wait3A_406 = tpu.memref_slice %arg6[%dma_wait3A_403, %dma_wait3A_404, %dma_wait3A_405] : memref<4x128x128xf32, #tpu.memory_space<vmem>> -> memref<1x128x128xf32, #tpu.memory_space<vmem>>
        %dma_wait3A_407 = tpu.memref_squeeze %dma_wait3A_406 : memref<1x128x128xf32, #tpu.memory_space<vmem>> -> memref<128x128xf32, #tpu.memory_space<vmem>>
        %dma_wait3A_408 = arith.constant 0 : i32
        %dma_wait3A_409 = tpu.memref_slice %arg5[%dma_wait3A_402, %add3A_401, %dma_wait3A_408] : memref<2x80x128xi32, #tpu.memory_space<vmem>> -> memref<1x1x128xi32, #tpu.memory_space<vmem>>
        %dma_wait3A_410 = tpu.memref_squeeze %dma_wait3A_409 : memref<1x1x128xi32, #tpu.memory_space<vmem>> -> memref<128xi32, #tpu.memory_space<vmem>>
        %dma_wait3A_411 = arith.constant 0 : i32
        %dma_wait3A_412 = arith.constant 0 : i32
        %dma_wait3A_413 = tpu.memref_slice %arg7[%dma_wait3A_411, %dma_wait3A_412] : memref<119x128xf32, #tpu.memory_space<vmem_shared>> -> memref<119x128xf32, #tpu.memory_space<vmem_shared>>
        tpu.wait_indirect_dma semaphore(%arg10 : memref<!tpu.dma_semaphore, #tpu.memory_space<semaphore_mem>>) src(%dma_wait3A_413 : memref<119x128xf32, #tpu.memory_space<vmem_shared>>) dst(%dma_wait3A_407 : memref<128x128xf32, #tpu.memory_space<vmem>>)
        %add3A_414 = arith.addi %mul3A_182, %add3A_401 : i32
        %mul3A_415 = arith.constant 128 : i32
        %mul3A_416 = arith.muli %add3A_414, %mul3A_415 : i32
        %add3A_417 = arith.addi %mul3A_4, %mul3A_416 : i32
        %dma_start3A_418 = arith.constant 2 : i32
        %dma_start3A_419 = arith.constant 0 : i32
        %dma_start3A_420 = arith.constant 0 : i32
        %dma_start3A_421 = tpu.memref_slice %arg6[%dma_start3A_418, %dma_start3A_419, %dma_start3A_420] : memref<4x128x128xf32, #tpu.memory_space<vmem>> -> memref<1x128x128xf32, #tpu.memory_space<vmem>>
        %dma_start3A_422 = tpu.memref_squeeze %dma_start3A_421 : memref<1x128x128xf32, #tpu.memory_space<vmem>> -> memref<128x128xf32, #tpu.memory_space<vmem>>
        %dma_start3A_423 = arith.constant 0 : i32
        %dma_start3A_424 = tpu.memref_slice %arg4[%add3A_417, %dma_start3A_423] : memref<3276800x128xf32, #tpu.memory_space<hbm>> -> memref<128x128xf32, #tpu.memory_space<hbm>>
        %dma_start3A_425 = arith.constant 0 : i32
        %dma_start3A_426 = tpu.memref_slice %arg4[%add3A_417, %dma_start3A_425] : memref<3276800x128xf32, #tpu.memory_space<hbm>> -> memref<128x128xf32, #tpu.memory_space<hbm>>
        %dma_start3A_427 = arith.constant 0 : i32
        %dma_start3A_428 = arith.constant 0 : i32
        %dma_start3A_429 = tpu.memref_slice %arg6[%dma_start3A_418, %dma_start3A_427, %dma_start3A_428] : memref<4x128x128xf32, #tpu.memory_space<vmem>> -> memref<1x128x128xf32, #tpu.memory_space<vmem>>
        %dma_start3A_430 = tpu.memref_squeeze %dma_start3A_429 : memref<1x128x128xf32, #tpu.memory_space<vmem>> -> memref<128x128xf32, #tpu.memory_space<vmem>>
        tpu.enqueue_dma source(%dma_start3A_430 : memref<128x128xf32, #tpu.memory_space<vmem>>) target(%dma_start3A_426 : memref<128x128xf32, #tpu.memory_space<hbm>>) target_semaphore(%arg10 : memref<!tpu.dma_semaphore, #tpu.memory_space<semaphore_mem>>)
        %add3A_431 = arith.constant 2 : i32
        %add3A_432 = arith.addi %add3A_401, %add3A_431 : i32
        %lt3A_433 = arith.constant 80 : i32
        %lt3A_434 = arith.cmpi slt, %add3A_432, %lt3A_433 : i32
        %convert_element_type3A_435 = arith.extui %lt3A_434 : i1 to i32
        %cond3A_436 = arith.constant 0 : i32
        %cond3A_437 = arith.cmpi ne, %convert_element_type3A_435, %cond3A_436 : i32
        scf.if %cond3A_437 {
          %ge3A = arith.constant 4 : i32
          %ge3A_478 = arith.cmpi sge, %add3A_432, %ge3A : i32
          %convert_element_type3A_479 = arith.extui %ge3A_478 : i1 to i32
          %cond3A_480 = arith.constant 0 : i32
          %cond3A_481 = arith.cmpi ne, %convert_element_type3A_479, %cond3A_480 : i32
          scf.if %cond3A_481 {
            %add3A_494 = arith.addi %mul3A_182, %add3A_432 : i32
            %sub3A_495 = arith.constant 4 : i32
            %sub3A_496 = arith.subi %add3A_494, %sub3A_495 : i32
            %mul3A_497 = arith.constant 128 : i32
            %mul3A_498 = arith.muli %sub3A_496, %mul3A_497 : i32
            %add3A_499 = arith.addi %mul3A_4, %mul3A_498 : i32
            %dma_wait3A_500 = arith.constant 0 : i32
            %dma_wait3A_501 = arith.constant 0 : i32
            %dma_wait3A_502 = arith.constant 0 : i32
            %dma_wait3A_503 = tpu.memref_slice %arg6[%dma_wait3A_500, %dma_wait3A_501, %dma_wait3A_502] : memref<4x128x128xf32, #tpu.memory_space<vmem>> -> memref<1x128x128xf32, #tpu.memory_space<vmem>>
            %dma_wait3A_504 = tpu.memref_squeeze %dma_wait3A_503 : memref<1x128x128xf32, #tpu.memory_space<vmem>> -> memref<128x128xf32, #tpu.memory_space<vmem>>
            %dma_wait3A_505 = arith.constant 0 : i32
            %dma_wait3A_506 = tpu.memref_slice %arg4[%add3A_499, %dma_wait3A_505] : memref<3276800x128xf32, #tpu.memory_space<hbm>> -> memref<128x128xf32, #tpu.memory_space<hbm>>
            %dma_wait3A_507 = arith.constant 0 : i32
            %dma_wait3A_508 = tpu.memref_slice %arg4[%add3A_499, %dma_wait3A_507] : memref<3276800x128xf32, #tpu.memory_space<hbm>> -> memref<128x128xf32, #tpu.memory_space<hbm>>
            %dma_wait3A_509 = arith.constant 0 : i32
            %dma_wait3A_510 = arith.constant 0 : i32
            %dma_wait3A_511 = tpu.memref_slice %arg6[%dma_wait3A_500, %dma_wait3A_509, %dma_wait3A_510] : memref<4x128x128xf32, #tpu.memory_space<vmem>> -> memref<1x128x128xf32, #tpu.memory_space<vmem>>
            %dma_wait3A_512 = tpu.memref_squeeze %dma_wait3A_511 : memref<1x128x128xf32, #tpu.memory_space<vmem>> -> memref<128x128xf32, #tpu.memory_space<vmem>>
            tpu.wait_dma2 semaphore(%arg8 : memref<!tpu.dma_semaphore, #tpu.memory_space<semaphore_mem>>) src(%dma_wait3A_512 : memref<128x128xf32, #tpu.memory_space<vmem>>) dst(%dma_wait3A_508 : memref<128x128xf32, #tpu.memory_space<hbm>>)
          } else {
          }
          %dma_start3A_482 = arith.constant 1 : i32
          %dma_start3A_483 = arith.constant 0 : i32
          %dma_start3A_484 = arith.constant 0 : i32
          %dma_start3A_485 = arith.constant 0 : i32
          %dma_start3A_486 = tpu.memref_slice %arg6[%dma_start3A_483, %dma_start3A_484, %dma_start3A_485] : memref<4x128x128xf32, #tpu.memory_space<vmem>> -> memref<1x128x128xf32, #tpu.memory_space<vmem>>
          %dma_start3A_487 = tpu.memref_squeeze %dma_start3A_486 : memref<1x128x128xf32, #tpu.memory_space<vmem>> -> memref<128x128xf32, #tpu.memory_space<vmem>>
          %dma_start3A_488 = arith.constant 0 : i32
          %dma_start3A_489 = tpu.memref_slice %arg5[%dma_start3A_482, %add3A_432, %dma_start3A_488] : memref<2x80x128xi32, #tpu.memory_space<vmem>> -> memref<1x1x128xi32, #tpu.memory_space<vmem>>
          %dma_start3A_490 = tpu.memref_squeeze %dma_start3A_489 : memref<1x1x128xi32, #tpu.memory_space<vmem>> -> memref<128xi32, #tpu.memory_space<vmem>>
          %dma_start3A_491 = arith.constant 0 : i32
          %dma_start3A_492 = arith.constant 0 : i32
          %dma_start3A_493 = tpu.memref_slice %arg7[%dma_start3A_491, %dma_start3A_492] : memref<119x128xf32, #tpu.memory_space<vmem_shared>> -> memref<119x128xf32, #tpu.memory_space<vmem_shared>>
          tpu.enqueue_indirect_dma source(%dma_start3A_493 : memref<119x128xf32, #tpu.memory_space<vmem_shared>>) target(%dma_start3A_487 : memref<128x128xf32, #tpu.memory_space<vmem>>) offsets(%dma_start3A_490 : memref<128xi32, #tpu.memory_space<vmem>>) semaphore(%arg8 : memref<!tpu.dma_semaphore, #tpu.memory_space<semaphore_mem>>)
        } else {
        }
        %mul3A_438 = arith.constant 4 : i32
        %mul3A_439 = arith.muli %scan3A_317, %mul3A_438 : i32
        %add3A_440 = arith.constant 3 : i32
        %add3A_441 = arith.addi %mul3A_439, %add3A_440 : i32
        %dma_wait3A_442 = arith.constant 1 : i32
        %dma_wait3A_443 = arith.constant 3 : i32
        %dma_wait3A_444 = arith.constant 0 : i32
        %dma_wait3A_445 = arith.constant 0 : i32
        %dma_wait3A_446 = tpu.memref_slice %arg6[%dma_wait3A_443, %dma_wait3A_444, %dma_wait3A_445] : memref<4x128x128xf32, #tpu.memory_space<vmem>> -> memref<1x128x128xf32, #tpu.memory_space<vmem>>
        %dma_wait3A_447 = tpu.memref_squeeze %dma_wait3A_446 : memref<1x128x128xf32, #tpu.memory_space<vmem>> -> memref<128x128xf32, #tpu.memory_space<vmem>>
        %dma_wait3A_448 = arith.constant 0 : i32
        %dma_wait3A_449 = tpu.memref_slice %arg5[%dma_wait3A_442, %add3A_441, %dma_wait3A_448] : memref<2x80x128xi32, #tpu.memory_space<vmem>> -> memref<1x1x128xi32, #tpu.memory_space<vmem>>
        %dma_wait3A_450 = tpu.memref_squeeze %dma_wait3A_449 : memref<1x1x128xi32, #tpu.memory_space<vmem>> -> memref<128xi32, #tpu.memory_space<vmem>>
        %dma_wait3A_451 = arith.constant 0 : i32
        %dma_wait3A_452 = arith.constant 0 : i32
        %dma_wait3A_453 = tpu.memref_slice %arg7[%dma_wait3A_451, %dma_wait3A_452] : memref<119x128xf32, #tpu.memory_space<vmem_shared>> -> memref<119x128xf32, #tpu.memory_space<vmem_shared>>
        tpu.wait_indirect_dma semaphore(%arg11 : memref<!tpu.dma_semaphore, #tpu.memory_space<semaphore_mem>>) src(%dma_wait3A_453 : memref<119x128xf32, #tpu.memory_space<vmem_shared>>) dst(%dma_wait3A_447 : memref<128x128xf32, #tpu.memory_space<vmem>>)
        %add3A_454 = arith.addi %mul3A_182, %add3A_441 : i32
        %mul3A_455 = arith.constant 128 : i32
        %mul3A_456 = arith.muli %add3A_454, %mul3A_455 : i32
        %add3A_457 = arith.addi %mul3A_4, %mul3A_456 : i32
        %dma_start3A_458 = arith.constant 3 : i32
        %dma_start3A_459 = arith.constant 0 : i32
        %dma_start3A_460 = arith.constant 0 : i32
        %dma_start3A_461 = tpu.memref_slice %arg6[%dma_start3A_458, %dma_start3A_459, %dma_start3A_460] : memref<4x128x128xf32, #tpu.memory_space<vmem>> -> memref<1x128x128xf32, #tpu.memory_space<vmem>>
        %dma_start3A_462 = tpu.memref_squeeze %dma_start3A_461 : memref<1x128x128xf32, #tpu.memory_space<vmem>> -> memref<128x128xf32, #tpu.memory_space<vmem>>
        %dma_start3A_463 = arith.constant 0 : i32
        %dma_start3A_464 = tpu.memref_slice %arg4[%add3A_457, %dma_start3A_463] : memref<3276800x128xf32, #tpu.memory_space<hbm>> -> memref<128x128xf32, #tpu.memory_space<hbm>>
        %dma_start3A_465 = arith.constant 0 : i32
        %dma_start3A_466 = tpu.memref_slice %arg4[%add3A_457, %dma_start3A_465] : memref<3276800x128xf32, #tpu.memory_space<hbm>> -> memref<128x128xf32, #tpu.memory_space<hbm>>
        %dma_start3A_467 = arith.constant 0 : i32
        %dma_start3A_468 = arith.constant 0 : i32
        %dma_start3A_469 = tpu.memref_slice %arg6[%dma_start3A_458, %dma_start3A_467, %dma_start3A_468] : memref<4x128x128xf32, #tpu.memory_space<vmem>> -> memref<1x128x128xf32, #tpu.memory_space<vmem>>
        %dma_start3A_470 = tpu.memref_squeeze %dma_start3A_469 : memref<1x128x128xf32, #tpu.memory_space<vmem>> -> memref<128x128xf32, #tpu.memory_space<vmem>>
        tpu.enqueue_dma source(%dma_start3A_470 : memref<128x128xf32, #tpu.memory_space<vmem>>) target(%dma_start3A_466 : memref<128x128xf32, #tpu.memory_space<hbm>>) target_semaphore(%arg11 : memref<!tpu.dma_semaphore, #tpu.memory_space<semaphore_mem>>)
        %add3A_471 = arith.constant 2 : i32
        %add3A_472 = arith.addi %add3A_441, %add3A_471 : i32
        %lt3A_473 = arith.constant 80 : i32
        %lt3A_474 = arith.cmpi slt, %add3A_472, %lt3A_473 : i32
        %convert_element_type3A_475 = arith.extui %lt3A_474 : i1 to i32
        %cond3A_476 = arith.constant 0 : i32
        %cond3A_477 = arith.cmpi ne, %convert_element_type3A_475, %cond3A_476 : i32
        scf.if %cond3A_477 {
          %ge3A = arith.constant 4 : i32
          %ge3A_478 = arith.cmpi sge, %add3A_472, %ge3A : i32
          %convert_element_type3A_479 = arith.extui %ge3A_478 : i1 to i32
          %cond3A_480 = arith.constant 0 : i32
          %cond3A_481 = arith.cmpi ne, %convert_element_type3A_479, %cond3A_480 : i32
          scf.if %cond3A_481 {
            %add3A_494 = arith.addi %mul3A_182, %add3A_472 : i32
            %sub3A_495 = arith.constant 4 : i32
            %sub3A_496 = arith.subi %add3A_494, %sub3A_495 : i32
            %mul3A_497 = arith.constant 128 : i32
            %mul3A_498 = arith.muli %sub3A_496, %mul3A_497 : i32
            %add3A_499 = arith.addi %mul3A_4, %mul3A_498 : i32
            %dma_wait3A_500 = arith.constant 1 : i32
            %dma_wait3A_501 = arith.constant 0 : i32
            %dma_wait3A_502 = arith.constant 0 : i32
            %dma_wait3A_503 = tpu.memref_slice %arg6[%dma_wait3A_500, %dma_wait3A_501, %dma_wait3A_502] : memref<4x128x128xf32, #tpu.memory_space<vmem>> -> memref<1x128x128xf32, #tpu.memory_space<vmem>>
            %dma_wait3A_504 = tpu.memref_squeeze %dma_wait3A_503 : memref<1x128x128xf32, #tpu.memory_space<vmem>> -> memref<128x128xf32, #tpu.memory_space<vmem>>
            %dma_wait3A_505 = arith.constant 0 : i32
            %dma_wait3A_506 = tpu.memref_slice %arg4[%add3A_499, %dma_wait3A_505] : memref<3276800x128xf32, #tpu.memory_space<hbm>> -> memref<128x128xf32, #tpu.memory_space<hbm>>
            %dma_wait3A_507 = arith.constant 0 : i32
            %dma_wait3A_508 = tpu.memref_slice %arg4[%add3A_499, %dma_wait3A_507] : memref<3276800x128xf32, #tpu.memory_space<hbm>> -> memref<128x128xf32, #tpu.memory_space<hbm>>
            %dma_wait3A_509 = arith.constant 0 : i32
            %dma_wait3A_510 = arith.constant 0 : i32
            %dma_wait3A_511 = tpu.memref_slice %arg6[%dma_wait3A_500, %dma_wait3A_509, %dma_wait3A_510] : memref<4x128x128xf32, #tpu.memory_space<vmem>> -> memref<1x128x128xf32, #tpu.memory_space<vmem>>
            %dma_wait3A_512 = tpu.memref_squeeze %dma_wait3A_511 : memref<1x128x128xf32, #tpu.memory_space<vmem>> -> memref<128x128xf32, #tpu.memory_space<vmem>>
            tpu.wait_dma2 semaphore(%arg9 : memref<!tpu.dma_semaphore, #tpu.memory_space<semaphore_mem>>) src(%dma_wait3A_512 : memref<128x128xf32, #tpu.memory_space<vmem>>) dst(%dma_wait3A_508 : memref<128x128xf32, #tpu.memory_space<hbm>>)
          } else {
          }
          %dma_start3A_482 = arith.constant 1 : i32
          %dma_start3A_483 = arith.constant 1 : i32
          %dma_start3A_484 = arith.constant 0 : i32
          %dma_start3A_485 = arith.constant 0 : i32
          %dma_start3A_486 = tpu.memref_slice %arg6[%dma_start3A_483, %dma_start3A_484, %dma_start3A_485] : memref<4x128x128xf32, #tpu.memory_space<vmem>> -> memref<1x128x128xf32, #tpu.memory_space<vmem>>
          %dma_start3A_487 = tpu.memref_squeeze %dma_start3A_486 : memref<1x128x128xf32, #tpu.memory_space<vmem>> -> memref<128x128xf32, #tpu.memory_space<vmem>>
          %dma_start3A_488 = arith.constant 0 : i32
          %dma_start3A_489 = tpu.memref_slice %arg5[%dma_start3A_482, %add3A_472, %dma_start3A_488] : memref<2x80x128xi32, #tpu.memory_space<vmem>> -> memref<1x1x128xi32, #tpu.memory_space<vmem>>
          %dma_start3A_490 = tpu.memref_squeeze %dma_start3A_489 : memref<1x1x128xi32, #tpu.memory_space<vmem>> -> memref<128xi32, #tpu.memory_space<vmem>>
          %dma_start3A_491 = arith.constant 0 : i32
          %dma_start3A_492 = arith.constant 0 : i32
          %dma_start3A_493 = tpu.memref_slice %arg7[%dma_start3A_491, %dma_start3A_492] : memref<119x128xf32, #tpu.memory_space<vmem_shared>> -> memref<119x128xf32, #tpu.memory_space<vmem_shared>>
          tpu.enqueue_indirect_dma source(%dma_start3A_493 : memref<119x128xf32, #tpu.memory_space<vmem_shared>>) target(%dma_start3A_487 : memref<128x128xf32, #tpu.memory_space<vmem>>) offsets(%dma_start3A_490 : memref<128xi32, #tpu.memory_space<vmem>>) semaphore(%arg9 : memref<!tpu.dma_semaphore, #tpu.memory_space<semaphore_mem>>)
        } else {
        }
      }
      %scan3A_221 = arith.constant 20 : i32
      %add3A_222 = arith.constant 80 : i32
      %add3A_223 = arith.addi %mul3A_182, %add3A_222 : i32
      %sub3A_224 = arith.constant 4 : i32
      %sub3A_225 = arith.subi %add3A_223, %sub3A_224 : i32
      %add3A_226 = arith.constant 0 : i32
      %add3A_227 = arith.addi %sub3A_225, %add3A_226 : i32
      %mul3A_228 = arith.constant 128 : i32
      %mul3A_229 = arith.muli %add3A_227, %mul3A_228 : i32
      %add3A_230 = arith.addi %mul3A_4, %mul3A_229 : i32
      %dma_wait3A_231 = arith.constant 0 : i32
      %dma_wait3A_232 = arith.constant 0 : i32
      %dma_wait3A_233 = arith.constant 0 : i32
      %dma_wait3A_234 = tpu.memref_slice %arg6[%dma_wait3A_231, %dma_wait3A_232, %dma_wait3A_233] : memref<4x128x128xf32, #tpu.memory_space<vmem>> -> memref<1x128x128xf32, #tpu.memory_space<vmem>>
      %dma_wait3A_235 = tpu.memref_squeeze %dma_wait3A_234 : memref<1x128x128xf32, #tpu.memory_space<vmem>> -> memref<128x128xf32, #tpu.memory_space<vmem>>
      %dma_wait3A_236 = arith.constant 0 : i32
      %dma_wait3A_237 = tpu.memref_slice %arg4[%add3A_230, %dma_wait3A_236] : memref<3276800x128xf32, #tpu.memory_space<hbm>> -> memref<128x128xf32, #tpu.memory_space<hbm>>
      %dma_wait3A_238 = arith.constant 0 : i32
      %dma_wait3A_239 = tpu.memref_slice %arg4[%add3A_230, %dma_wait3A_238] : memref<3276800x128xf32, #tpu.memory_space<hbm>> -> memref<128x128xf32, #tpu.memory_space<hbm>>
      %dma_wait3A_240 = arith.constant 0 : i32
      %dma_wait3A_241 = arith.constant 0 : i32
      %dma_wait3A_242 = tpu.memref_slice %arg6[%dma_wait3A_231, %dma_wait3A_240, %dma_wait3A_241] : memref<4x128x128xf32, #tpu.memory_space<vmem>> -> memref<1x128x128xf32, #tpu.memory_space<vmem>>
      %dma_wait3A_243 = tpu.memref_squeeze %dma_wait3A_242 : memref<1x128x128xf32, #tpu.memory_space<vmem>> -> memref<128x128xf32, #tpu.memory_space<vmem>>
      tpu.wait_dma2 semaphore(%arg8 : memref<!tpu.dma_semaphore, #tpu.memory_space<semaphore_mem>>) src(%dma_wait3A_243 : memref<128x128xf32, #tpu.memory_space<vmem>>) dst(%dma_wait3A_239 : memref<128x128xf32, #tpu.memory_space<hbm>>)
      %add3A_244 = arith.constant 80 : i32
      %add3A_245 = arith.addi %mul3A_182, %add3A_244 : i32
      %sub3A_246 = arith.constant 4 : i32
      %sub3A_247 = arith.subi %add3A_245, %sub3A_246 : i32
      %add3A_248 = arith.constant 1 : i32
      %add3A_249 = arith.addi %sub3A_247, %add3A_248 : i32
      %mul3A_250 = arith.constant 128 : i32
      %mul3A_251 = arith.muli %add3A_249, %mul3A_250 : i32
      %add3A_252 = arith.addi %mul3A_4, %mul3A_251 : i32
      %dma_wait3A_253 = arith.constant 1 : i32
      %dma_wait3A_254 = arith.constant 0 : i32
      %dma_wait3A_255 = arith.constant 0 : i32
      %dma_wait3A_256 = tpu.memref_slice %arg6[%dma_wait3A_253, %dma_wait3A_254, %dma_wait3A_255] : memref<4x128x128xf32, #tpu.memory_space<vmem>> -> memref<1x128x128xf32, #tpu.memory_space<vmem>>
      %dma_wait3A_257 = tpu.memref_squeeze %dma_wait3A_256 : memref<1x128x128xf32, #tpu.memory_space<vmem>> -> memref<128x128xf32, #tpu.memory_space<vmem>>
      %dma_wait3A_258 = arith.constant 0 : i32
      %dma_wait3A_259 = tpu.memref_slice %arg4[%add3A_252, %dma_wait3A_258] : memref<3276800x128xf32, #tpu.memory_space<hbm>> -> memref<128x128xf32, #tpu.memory_space<hbm>>
      %dma_wait3A_260 = arith.constant 0 : i32
      %dma_wait3A_261 = tpu.memref_slice %arg4[%add3A_252, %dma_wait3A_260] : memref<3276800x128xf32, #tpu.memory_space<hbm>> -> memref<128x128xf32, #tpu.memory_space<hbm>>
      %dma_wait3A_262 = arith.constant 0 : i32
      %dma_wait3A_263 = arith.constant 0 : i32
      %dma_wait3A_264 = tpu.memref_slice %arg6[%dma_wait3A_253, %dma_wait3A_262, %dma_wait3A_263] : memref<4x128x128xf32, #tpu.memory_space<vmem>> -> memref<1x128x128xf32, #tpu.memory_space<vmem>>
      %dma_wait3A_265 = tpu.memref_squeeze %dma_wait3A_264 : memref<1x128x128xf32, #tpu.memory_space<vmem>> -> memref<128x128xf32, #tpu.memory_space<vmem>>
      tpu.wait_dma2 semaphore(%arg9 : memref<!tpu.dma_semaphore, #tpu.memory_space<semaphore_mem>>) src(%dma_wait3A_265 : memref<128x128xf32, #tpu.memory_space<vmem>>) dst(%dma_wait3A_261 : memref<128x128xf32, #tpu.memory_space<hbm>>)
      %add3A_266 = arith.constant 80 : i32
      %add3A_267 = arith.addi %mul3A_182, %add3A_266 : i32
      %sub3A_268 = arith.constant 4 : i32
      %sub3A_269 = arith.subi %add3A_267, %sub3A_268 : i32
      %add3A_270 = arith.constant 2 : i32
      %add3A_271 = arith.addi %sub3A_269, %add3A_270 : i32
      %mul3A_272 = arith.constant 128 : i32
      %mul3A_273 = arith.muli %add3A_271, %mul3A_272 : i32
      %add3A_274 = arith.addi %mul3A_4, %mul3A_273 : i32
      %dma_wait3A_275 = arith.constant 2 : i32
      %dma_wait3A_276 = arith.constant 0 : i32
      %dma_wait3A_277 = arith.constant 0 : i32
      %dma_wait3A_278 = tpu.memref_slice %arg6[%dma_wait3A_275, %dma_wait3A_276, %dma_wait3A_277] : memref<4x128x128xf32, #tpu.memory_space<vmem>> -> memref<1x128x128xf32, #tpu.memory_space<vmem>>
      %dma_wait3A_279 = tpu.memref_squeeze %dma_wait3A_278 : memref<1x128x128xf32, #tpu.memory_space<vmem>> -> memref<128x128xf32, #tpu.memory_space<vmem>>
      %dma_wait3A_280 = arith.constant 0 : i32
      %dma_wait3A_281 = tpu.memref_slice %arg4[%add3A_274, %dma_wait3A_280] : memref<3276800x128xf32, #tpu.memory_space<hbm>> -> memref<128x128xf32, #tpu.memory_space<hbm>>
      %dma_wait3A_282 = arith.constant 0 : i32
      %dma_wait3A_283 = tpu.memref_slice %arg4[%add3A_274, %dma_wait3A_282] : memref<3276800x128xf32, #tpu.memory_space<hbm>> -> memref<128x128xf32, #tpu.memory_space<hbm>>
      %dma_wait3A_284 = arith.constant 0 : i32
      %dma_wait3A_285 = arith.constant 0 : i32
      %dma_wait3A_286 = tpu.memref_slice %arg6[%dma_wait3A_275, %dma_wait3A_284, %dma_wait3A_285] : memref<4x128x128xf32, #tpu.memory_space<vmem>> -> memref<1x128x128xf32, #tpu.memory_space<vmem>>
      %dma_wait3A_287 = tpu.memref_squeeze %dma_wait3A_286 : memref<1x128x128xf32, #tpu.memory_space<vmem>> -> memref<128x128xf32, #tpu.memory_space<vmem>>
      tpu.wait_dma2 semaphore(%arg10 : memref<!tpu.dma_semaphore, #tpu.memory_space<semaphore_mem>>) src(%dma_wait3A_287 : memref<128x128xf32, #tpu.memory_space<vmem>>) dst(%dma_wait3A_283 : memref<128x128xf32, #tpu.memory_space<hbm>>)
      %add3A_288 = arith.constant 80 : i32
      %add3A_289 = arith.addi %mul3A_182, %add3A_288 : i32
      %sub3A_290 = arith.constant 4 : i32
      %sub3A_291 = arith.subi %add3A_289, %sub3A_290 : i32
      %add3A_292 = arith.constant 3 : i32
      %add3A_293 = arith.addi %sub3A_291, %add3A_292 : i32
      %mul3A_294 = arith.constant 128 : i32
      %mul3A_295 = arith.muli %add3A_293, %mul3A_294 : i32
      %add3A_296 = arith.addi %mul3A_4, %mul3A_295 : i32
      %dma_wait3A_297 = arith.constant 3 : i32
      %dma_wait3A_298 = arith.constant 0 : i32
      %dma_wait3A_299 = arith.constant 0 : i32
      %dma_wait3A_300 = tpu.memref_slice %arg6[%dma_wait3A_297, %dma_wait3A_298, %dma_wait3A_299] : memref<4x128x128xf32, #tpu.memory_space<vmem>> -> memref<1x128x128xf32, #tpu.memory_space<vmem>>
      %dma_wait3A_301 = tpu.memref_squeeze %dma_wait3A_300 : memref<1x128x128xf32, #tpu.memory_space<vmem>> -> memref<128x128xf32, #tpu.memory_space<vmem>>
      %dma_wait3A_302 = arith.constant 0 : i32
      %dma_wait3A_303 = tpu.memref_slice %arg4[%add3A_296, %dma_wait3A_302] : memref<3276800x128xf32, #tpu.memory_space<hbm>> -> memref<128x128xf32, #tpu.memory_space<hbm>>
      %dma_wait3A_304 = arith.constant 0 : i32
      %dma_wait3A_305 = tpu.memref_slice %arg4[%add3A_296, %dma_wait3A_304] : memref<3276800x128xf32, #tpu.memory_space<hbm>> -> memref<128x128xf32, #tpu.memory_space<hbm>>
      %dma_wait3A_306 = arith.constant 0 : i32
      %dma_wait3A_307 = arith.constant 0 : i32
      %dma_wait3A_308 = tpu.memref_slice %arg6[%dma_wait3A_297, %dma_wait3A_306, %dma_wait3A_307] : memref<4x128x128xf32, #tpu.memory_space<vmem>> -> memref<1x128x128xf32, #tpu.memory_space<vmem>>
      %dma_wait3A_309 = tpu.memref_squeeze %dma_wait3A_308 : memref<1x128x128xf32, #tpu.memory_space<vmem>> -> memref<128x128xf32, #tpu.memory_space<vmem>>
      tpu.wait_dma2 semaphore(%arg11 : memref<!tpu.dma_semaphore, #tpu.memory_space<semaphore_mem>>) src(%dma_wait3A_309 : memref<128x128xf32, #tpu.memory_space<vmem>>) dst(%dma_wait3A_305 : memref<128x128xf32, #tpu.memory_space<hbm>>)
      %add3A_310 = arith.constant 1 : i32
      %add3A_311 = arith.addi %add3A_180, %add3A_310 : i32
      %lt3A_312 = arith.constant 10 : i32
      %lt3A_313 = arith.cmpi slt, %add3A_311, %lt3A_312 : i32
      %convert_element_type3A_314 = arith.extui %lt3A_313 : i1 to i32
      %cond3A_315 = arith.constant 0 : i32
      %cond3A_316 = arith.cmpi ne, %convert_element_type3A_314, %cond3A_315 : i32
      scf.if %cond3A_316 {
        %add3A_317 = arith.constant 1 : i32
        %add3A_318 = arith.addi %add3A_180, %add3A_317 : i32
        %mul3A_319 = arith.constant 80 : i32
        %mul3A_320 = arith.muli %add3A_318, %mul3A_319 : i32
        %add3A_321 = arith.addi %mul3A_2, %mul3A_320 : i32
        %dma_wait3A_322 = arith.constant 0 : i32
        %dma_wait3A_323 = arith.constant 0 : i32
        %dma_wait3A_324 = arith.constant 0 : i32
        %dma_wait3A_325 = tpu.memref_slice %arg5[%dma_wait3A_322, %dma_wait3A_323, %dma_wait3A_324] : memref<2x80x128xi32, #tpu.memory_space<vmem>> -> memref<1x80x128xi32, #tpu.memory_space<vmem>>
        %dma_wait3A_326 = tpu.memref_squeeze %dma_wait3A_325 : memref<1x80x128xi32, #tpu.memory_space<vmem>> -> memref<80x128xi32, #tpu.memory_space<vmem>>
        %dma_wait3A_327 = arith.constant 0 : i32
        %dma_wait3A_328 = tpu.memref_slice %arg2[%add3A_321, %dma_wait3A_327] : memref<25600x128xi32, #tpu.memory_space<hbm>> -> memref<80x128xi32, #tpu.memory_space<hbm>>
        %dma_wait3A_329 = arith.constant 0 : i32
        %dma_wait3A_330 = arith.constant 0 : i32
        %dma_wait3A_331 = tpu.memref_slice %arg5[%dma_wait3A_322, %dma_wait3A_329, %dma_wait3A_330] : memref<2x80x128xi32, #tpu.memory_space<vmem>> -> memref<1x80x128xi32, #tpu.memory_space<vmem>>
        %dma_wait3A_332 = tpu.memref_squeeze %dma_wait3A_331 : memref<1x80x128xi32, #tpu.memory_space<vmem>> -> memref<80x128xi32, #tpu.memory_space<vmem>>
        %dma_wait3A_333 = arith.constant 0 : i32
        %dma_wait3A_334 = tpu.memref_slice %arg2[%add3A_321, %dma_wait3A_333] : memref<25600x128xi32, #tpu.memory_space<hbm>> -> memref<80x128xi32, #tpu.memory_space<hbm>>
        tpu.wait_dma2 semaphore(%arg12 : memref<!tpu.dma_semaphore, #tpu.memory_space<semaphore_mem>>) src(%dma_wait3A_334 : memref<80x128xi32, #tpu.memory_space<hbm>>) dst(%dma_wait3A_332 : memref<80x128xi32, #tpu.memory_space<vmem>>)
      } else {
      }
    }
    %scan3A_39 = arith.constant 5 : i32
    return
  }
}

</mosaic_0001>

<sc_bundles>
// kernel: _sc_embed.3.cloned.1.call-start
scs
__scs_entry_jumppad:
0x0: {  	(pc) =	sbr.rel $0x88, $3  }
0x1: {  	(tag) =	ssettag $0x0;
	lr =	simm.s32 $0x1  }
0x2: {  	[smem:$0x3F9F] =	sst lr;
	_ =	strace $0xD0000000  }
0x3: {  	_ = 	snop  }
0x4: {  	_ = 	snop  }
0x5: {  	_ = 	snop  }
0x6: {  	_ = 	snop  }
0x7: {  	_ = 	snop  }
__scs_overlays_trampoline_lowered:
0x8: {  	[smem:$0x3FAE] =	sst s0  }
0x9: {  	[smem:$0x3FAF] =	sst s1  }
0xa: {  	[smem:$0x3FB0] =	sst s2  }
0xb: {  	[smem:$0x3FB1] =	sst s3  }
0xc: {  	[smem:$0x3FB2] =	sst s4  }
0xd: {  	[smem:$0x3FB3] =	sst s5  }
0xe: {  	[smem:$0x3FB4] =	sst s6  }
0xf: {  	[smem:$0x3FB5] =	sst s7  }
0x10: {  	[smem:$0x3FB6] =	sst s8  }
0x11: {  	[smem:$0x3FB7] =	sst s9;
	s0 =	simm.s32 @!p0 $0x0  }
0x12: {  	s1 =	sld [smem:$0x3F9D];
	s0 =	simm.s32 @p0 $0x1  }
0x13: {  	[smem:$0x3FB8] =	sst s0;
	s0 =	simm.s32 @!p1 $0x0  }
0x14: {  	s2 =	sld [smem:$0x3F9C];
	s0 =	simm.s32 @p1 $0x1  }
0x15: {  	[smem:$0x3FB9] =	sst s0;
	s0 =	simm.s32 @!p2 $0x0  }
0x16: {  	s3 =	sld [smem:$0x3FDB];
	s0 =	simm.s32 @p2 $0x1  }
0x17: {  	s4 =	simm.s32 $0x1BF5;
	[smem:$0x3FBB] =	sst s0  }
0x18: {  	s0 =	sld [smem:$0x3F9E];
	_ =	swait.ge [sflag:s4], $0x0  }
0x19: {  	s7 =	sld [smem:$0x3F9F]  }
0x1a: {  	s8 =	sadd.s32 $0xFFFFE003, lr  }
0x1b: {  	s9 =	sadd.s32 $0xFFFFFEF7, lr;
	s5 =	simm.s32 $0xFFFFFFFF;
	p2 =	slt.u32 s8, $0xFFFFF086  }
0x1c: {  	p1 =	slt.u32 s9, $0xF7A;
	s5 =	simm.s32 @!p2 $0x0  }
0x1d: {  	s5 =	simm.s32 @p1 $0x1;
	p0 =	seq.s32 s7, s2  }
0x1e: {  	s7 =	smul.u32 @!p0 $0xF7A, s2;
	p2 =	seq.s32 @!p0 s5, $0x0  }
0x1f: {  	s9 =	smul.u32 $0xF7A, s1;
	s8 =	simm.s32 @!p0 $0x1BF5;
	p2 =	por !p2, p0  }
0x20: {  	[sflag:s8] =	ssyncset.s32 @!p0 $0xFFFFF086;
	s6 =	sadd.s32 @!p0 s3, s7;
	s7 =	simm.s32 @!p0 $0x108  }
0x21: {  	s3 =	sadd.s32 s3, s9;
	s6 =	sadd.s32 @!p0 $0x88, s6;
	s7 =	simm.s32 @p2 $0x1082  }
0x22: {  	[simem:s7], [sflag:s8] =	dma.local @!p0 [hbm:s6], $0xF7A  }
0x23: {  	s9 =	sor.u32 $0xD0000000, s2;
	s6 =	simm.s32 $0x108;
	_ =	swait.ge @!p0 [sflag:s8], $0x0  }
0x24: {  	s3 =	sadd.s32 $0x88, s3;
	s6 =	simm.s32 @!p1 $0x1082;
	[sflag:s4] =	ssyncset.s32 $0xFFFFF086  }
0x25: {  	[simem:s6], [sflag:s4] =	dma.local [hbm:s3], $0xF7A  }
0x26: {  	[smem:$0x3F9F] =	sst s1;
	(tag) =	ssettag s2;
	_ =	strace s9  }
0x27: {  	s1 =	sld [smem:$0x3FAF]  }
0x28: {  	s2 =	sld [smem:$0x3FB0]  }
0x29: {  	s4 =	sld [smem:$0x3FB2]  }
0x2a: {  	p0 =	seq.s32 s5, $0x0;
	s5 =	sld [smem:$0x3FB3]  }
0x2b: {  	s6 =	sld [smem:$0x3FB4]  }
0x2c: {  	s7 =	sld [smem:$0x3FB5]  }
0x2d: {  	s3 =	simm.s32 $0x108;
	s8 =	sld [smem:$0x3FB6]  }
0x2e: {  	s3 =	simm.s32 @!p0 $0x1082;
	s9 =	sld [smem:$0x3FB7]  }
0x2f: {  	lr =	sadd.s32 s0, s3;
	s0 =	sld [smem:$0x3FAE]  }
0x30: {  	s3 =	sld [smem:$0x3FB1]  }
0x31: {  	[smem:$0x3FBA] =	sst s10  }
0x32: {  	s10 =	sld [smem:$0x3FB8];
	_ =	sdelay $0x3  }
0x33: {  	p0 =	seq.s32 s10, $0x1;
	s10 =	sld [smem:$0x3FBA];
	_ =	sdelay $0x3  }
0x34: {  	[smem:$0x3FBA] =	sst s10  }
0x35: {  	s10 =	sld [smem:$0x3FB9];
	_ =	sdelay $0x3  }
0x36: {  	p1 =	seq.s32 s10, $0x1;
	s10 =	sld [smem:$0x3FBA];
	_ =	sdelay $0x3  }
0x37: {  	[smem:$0x3FBA] =	sst s10  }
0x38: {  	s10 =	sld [smem:$0x3FBB]  }
0x39: {  	_ = 	snop;
	(pc) =	sbr.ind lr, $3  }
0x3a: {  	_ = 	snop  }
0x3b: {  	_ = 	snop  }
0x3c: {  	p2 =	seq.s32 s10, $0x1;
	s10 =	sld [smem:$0x3FBA]  }
0x3d: {  	_ =	shalt  }
0x3e: {  	_ =	shalt  }
0x3f: {  	_ =	shalt  }
0x40: {  	_ =	shalt  }
0x41: {  	_ =	shalt  }
0x42: {  	_ =	shalt  }
0x43: {  	_ =	shalt  }
0x44: {  	_ =	shalt  }
0x45: {  	_ =	shalt  }
0x46: {  	_ =	shalt  }
0x47: {  	_ =	shalt  }
0x48: {  	_ =	shalt  }
0x49: {  	_ =	shalt  }
0x4a: {  	_ =	shalt  }
0x4b: {  	_ =	shalt  }
0x4c: {  	_ =	shalt  }
0x4d: {  	_ =	shalt  }
0x4e: {  	_ =	shalt  }
0x4f: {  	_ =	shalt  }
0x50: {  	_ =	shalt  }
0x51: {  	_ =	shalt  }
0x52: {  	_ =	shalt  }
0x53: {  	_ =	shalt  }
0x54: {  	_ =	shalt  }
0x55: {  	_ =	shalt  }
0x56: {  	_ =	shalt  }
0x57: {  	_ =	shalt  }
0x58: {  	_ =	shalt  }
0x59: {  	_ =	shalt  }
0x5a: {  	_ =	shalt  }
0x5b: {  	_ =	shalt  }
0x5c: {  	_ =	shalt  }
0x5d: {  	_ =	shalt  }
0x5e: {  	_ =	shalt  }
0x5f: {  	_ =	shalt  }
0x60: {  	_ =	shalt  }
0x61: {  	_ =	shalt  }
0x62: {  	_ =	shalt  }
0x63: {  	_ =	shalt  }
0x64: {  	_ =	shalt  }
0x65: {  	_ =	shalt  }
0x66: {  	_ =	shalt  }
0x67: {  	_ =	shalt  }
0x68: {  	_ =	shalt  }
0x69: {  	_ =	shalt  }
0x6a: {  	_ =	shalt  }
0x6b: {  	_ =	shalt  }
0x6c: {  	_ =	shalt  }
0x6d: {  	_ =	shalt  }
0x6e: {  	_ =	shalt  }
0x6f: {  	_ =	shalt  }
0x70: {  	_ =	shalt  }
0x71: {  	_ =	shalt  }
0x72: {  	_ =	shalt  }
0x73: {  	_ =	shalt  }
0x74: {  	_ =	shalt  }
0x75: {  	_ =	shalt  }
0x76: {  	_ =	shalt  }
0x77: {  	_ =	shalt  }
0x78: {  	_ =	shalt  }
0x79: {  	_ =	shalt  }
0x7a: {  	_ =	shalt  }
0x7b: {  	_ =	shalt  }
0x7c: {  	_ =	shalt  }
0x7d: {  	_ =	shalt  }
0x7e: {  	_ =	shalt  }
0x7f: {  	_ =	shalt  }
0x80: {  	_ =	shalt  }
0x81: {  	_ =	shalt  }
0x82: {  	_ =	shalt  }
0x83: {  	_ =	shalt  }
0x84: {  	_ =	shalt  }
0x85: {  	_ =	shalt  }
0x86: {  	_ =	shalt  }
0x87: {  	_ =	shalt  }
.Lfunc_end0:
.L_simem_size_0:
called_computation_lowered:
.L_overlay_start_0:
0x88: {  	s2 =	sld [smem:$0x3FD9]  }
0x89: {  	s3 =	sld [smem:$0x3FFE];
	_ =	sdelay $0x1  }
0x8a: {  	s1 =	srdreg.scid  }
0x8b: {  	s0 =	sand.u32 $0x1, s1  }
0x8c: {  	s18 =	sshll.u32 s0, $0xA;
	s2 =	sadd.s32 s3, s2  }
0x8d: {  	s2 =	sadd.s32 s2, s18  }
0x8e: {  	[smem:$0x3FC6] =	sst s2  }
0x8f: {  	_ = 	snop  }
0x90: {  	s2 =	sld [smem:$0x3FC9]  }
0x91: {  	s19 =	sld [smem:$0x3FC8]  }
0x92: {  	s4 =	sld [smem:$0x3FD0];
	(tm) =	ssettm $0x1  }
0x93: {  	s5 =	sld [smem:$0x3FFB];
	_ =	sdelay $0x3  }
0x94: {  	_ =	strace s5  }
0x95: {  	s5 =	sld [smem:$0x3FFC];
	_ =	sdelay $0x3  }
0x96: {  	_ =	strace s5  }
0x97: {  	s5 =	sld [smem:$0x3FFD];
	_ =	sdelay $0x3  }
0x98: {  	_ =	strace s5  }
0x99: {  	_ =	strace $0x8FFFFFFF  }
0x9a: {  	s20 =	sld [smem:$0x3FDB];
	_ =	sdelay $0x1  }
0x9b: {  	s6 =	simm.s32 $_scs_section_size  }
0x9c: {  	s7 =	simm.s32 $_size__tile_overlayer_lowered;
	s8 =	simm.s32 $_tile_overlayer_lowered  }
0x9d: {  	s23 =	simm.s32 $0x1BFF;
	s22 =	sshll.u32 s8, $0x1;
	s5 =	sadd.s32 s6, s20  }
0x9e: {  	s9 =	simm.s32 $0x0;
	s21 =	sshll.u32 s7, $0x1;
	s7 =	sadd.s32 s22, s5  }
0x9f: {  	[timem:s9], [sflag:s23] =	dma.local [hbm:s7], s21  }
0xa0: {  	_ =	swait.ge [sflag:s23], s21  }
0xa1: {  	s6 =	ssub.s32 $0x0, s21;
	[sflag:s23] =	ssyncset.done $0x0  }
0xa2: {  	[sflag:s23] =	ssyncadd.s32 s6;
	_ =	sdelay $0x1  }
0xa3: {  	s24 =	simm.s32 $0x1B8B  }
0xa4: {  	_ =	swait.ge [sflag:s24], $0x1  }
0xa5: {  	[sflag:s24] =	ssyncset.done $0x0  }
0xa6: {  	s25 =	simm.s32 $0x1B8E;
	[sflag:s24] =	ssyncadd.s32 $0xFFFFFFFF  }
0xa7: {  	s26 =	simm.s32 $execute0_lowered;
	[smem:$0x3FD2] =	sst s25  }
0xa8: {  	s6 =	sshll.u32 s26, $0x1;
	_ =	strace $0x80000046;
	[dreg:$0x1] =	wrdreg $0xFFFFFFFF  }
0xa9: {  	s28 =	simm.s32 $_size_execute0_lowered;
	s5 =	sadd.s32 s5, s6;
	[dreg:$0x0] =	wrdreg $0x0  }
0xaa: {  	s6 =	sshll.u32 s28, $0x1;
	[dreg:$0x2] =	wrdreg s5  }
0xab: {  	[dreg:$0x3] =	wrdreg s6  }
0xac: {  	[dreg:$0x4] =	wrdreg $0xC0  }
0xad: {  	_ =	task [dreg:s9], $0x5FFFF  }
0xae: {  	[dreg:$0x1] =	wrdreg $0xFFFFFFFF  }
0xaf: {  	[dreg:$0x0] =	wrdreg $0x60  }
0xb0: {  	[dreg:$0x2] =	wrdreg s2  }
0xb1: {  	[dreg:$0x3] =	wrdreg s19  }
0xb2: {  	[dreg:$0x4] =	wrdreg s4  }
0xb3: {  	[dreg:$0x5] =	wrdreg $0x150000  }
0xb4: {  	[dreg:$0x6] =	wrdreg $0x9  }
0xb5: {  	_ =	task.clear_ibuf [dreg:s9], $0x7FFFF;
	_ =	strace $0x90000046  }
0xb6: {  	s29 =	simm.s32 $0x9;
	_ =	strace $0x80000048  }
0xb7: {  	_ =	swait.ge [sflag:s29], $0x1  }
0xb8: {  	[sflag:s29] =	ssyncadd.s32 $0xFFFFFFFF  }
0xb9: {  	_ =	strace $0x90000048  }
0xba: {  	_ =	sfence  }
0xbb: {  	s30 =	sld [smem:$0x0];
	_ =	sdelay $0x2  }
0xbc: {  	s31 =	sshll.u32 s1, $0xD;
	s1 =	sshrl.u32 s1, $0x2  }
0xbd: {  	s3 =	sand.u32 $0x4000, s31;
	s1 =	sadd.s32 s1, s30  }
0xbe: {  	s0 =	sor.u32 s3, s0;
	s1 =	sshll.u32 s1, $0x11  }
0xbf: {  	s0 =	sor.u32 s1, s0  }
0xc0: {  	s0 =	sadd.s32 $0x8F2B, s0  }
0xc1: {  	[sflag:s0] =	ssyncadd.remote.s32 $0x1  }
0xc2: {  	_ =	sfence.sel $0xFFFF  }
0xc3: {  	[dreg:$0x0] =	wrdreg $0xFFFFFFFF;
	(pc) =	sbr.abs _section_cstart, $3  }
0xc4: {  	[dreg:$0x1] =	wrdreg $0xFFFFFFFF  }
0xc5: {  	_ =	task.clear_ibuf [dreg:s9], $0x2FFFF;
	_ =	strace $0x9FFFFFFF  }
0xc6: {  	(tm) =	ssettm $0x7FFFFFFF  }
0xc7: {  	_ =	shalt  }
tec
execute0_lowered:
.L_overlay_start_1:
0x0: {  	(tag) =	ssettag $0x1  }
0x1: {  	s19 =	rddreg [dreg:$0x0]  }
0x2: {  	s0 =	srdreg.scid;
	s6 =	rddreg [dreg:$0x2]  }
0x3: {  	s1 =	stileid.u32;
	s3 =	rddreg [dreg:$0x3]  }
0x4: {  	s5 =	simm.s32 $0x0;
	s28 =	simm.s32 $0x3;
	s29 =	simm.s32 $0x4  }
0x5: {  	s0 =	sand.u32 $0x1, s0;
	s2 =	sshll.u32 s1, $0x1;
	s8 =	smul.u32 $0x1900000, s1  }
0x6: {  	s2 =	sor.u32 s0, s2;
	s7 =	ssub.s32 $0x2, s0;
	s0 =	smul.u32 $0xC80000, s0  }
0x7: {  	[smem:$0x7FF] =	sst s5;
	p0 =	sne.s32 s1, $0x0;
	s4 =	smul.u32 $0x320, s2  }
0x8: {  	s1 =	simm.s32 $0x0;
	s2 =	smul.u32 $0x3200, s2;
	s9 =	sshrl.u32 s7, $0x1  }
0x9: {  	_ =	strace $0x80000047;
	s9 =	ssub.s32 s7, s9;
	s0 =	sadd.s32 s0, s8  }
0xa: {  	s2 =	sadd.s32 s19, s2;
	[dreg:$0x5] =	wrdreg s4;
	s15 =	sadd.s32 $0xA0, s4  }
0xb: {  	s16 =	smax.u32 s9, $0x1;
	s17 =	sor.u32 $0x4000, s0;
	s8 =	sor.u32 $0xC000, s0  }
0xc: {  	s18 =	sor.u32 $0x8000, s0;
	s22 =	sshrl.u32 s0, $0x3;
	[dreg:$0x6] =	wrdreg s2  }
0xd: {  	s23 =	sadd.s32 $0x144000, s0;
	s25 =	sadd.s32 $0x14C000, s0;
	[dreg:$0x7] =	wrdreg s15  }
0xe: {  	s30 =	sadd.s32 $0x148000, s0;
	s0 =	sadd.s32 $0x140000, s0;
	[dreg:$0x8] =	wrdreg s16  }
0xf: {  	s2 =	sshrl.u32 s17, $0x3;
	s8 =	sshrl.u32 s8, $0x3;
	s21 =	sshrl.u32 s18, $0x3  }
0x10: {  	s24 =	sshrl.u32 s23, $0x3;
	s26 =	sshrl.u32 s25, $0x3;
	s2 =	sadd.s32 s2, s6  }
0x11: {  	s0 =	sshrl.u32 s0, $0x3;
	s20 =	sadd.s32 s8, s6;
	[dreg:$0x9] =	wrdreg s2  }
0x12: {  	s31 =	sshrl.u32 s30, $0x3;
	s0 =	sadd.s32 s0, s6;
	[dreg:$0xa] =	wrdreg s20  }
0x13: {  	s23 =	simm.s32 $0x1;
	s2 =	sadd.s32 s21, s6;
	[dreg:$0x10] =	wrdreg s0  }
0x14: {  	s25 =	simm.s32 $0x2;
	s0 =	sshrl.u32 @!p0 s3, $0x3;
	[dreg:$0xb] =	wrdreg s2  }
.Ltmp0:
0x15: {  	s2 =	sadd.s32 s22, s6;
	[dreg:$0x11] =	wrdreg s0;
	(pc) =	sbr.rel .LBB2_1-.Ltmp0, $4  }
0x16: {  	s20 =	simm.s32 $0x80;
	[dreg:$0xc] =	wrdreg s2;
	s2 =	sadd.s32 s24, s6  }
0x17: {  	s21 =	simm.s32 $0x5000;
	[dreg:$0xd] =	wrdreg s2;
	s2 =	sadd.s32 s26, s6  }
0x18: {  	s22 =	simm.s32 $0x9000;
	[dreg:$0xe] =	wrdreg s2;
	s2 =	sadd.s32 s31, s6  }
0x19: {  	s24 =	simm.s32 $0xD000;
	s26 =	simm.s32 $0x11000;
	[dreg:$0xf] =	wrdreg s2  }
.LBB2_10:
0x1a: {  	s1 =	rddreg [dreg:$0x12]  }
0x1b: {  	s0 =	rddreg [dreg:$0x8];
	s1 =	sadd.s32 $0x1, s1  }
0x1c: {  	p1 =	sne.s32 s1, s0  }
.Ltmp1:
0x1d: {  	_ = 	snop;
	(pc) =	sbr.rel @!p1 .LBB2_11-.Ltmp1, $1  }
0x1e: {  	_ =	sdelay $0x3  }
.LBB2_1:
0x1f: {  	[dreg:$0x12] =	wrdreg s1  }
0x20: {  	s1 =	rddreg [dreg:$0x1]  }
0x21: {  	s0 =	simm.s32 @!p0 $0x1C06;
	s2 =	rddreg [dreg:$0x11]  }
0x22: {  	[spmem:s2], [sflag:s0] =	dma.local @!p0 [hbm:s1], $0x770  }
0x23: {  	s0 =	simm.s32 @!p0 $0x6  }
0x24: {  	_ =	swait.ge @!p0 [sflag:s0], $0x770  }
0x25: {  	[sflag:s0] =	ssyncset.done @!p0 $0x0  }
0x26: {  	[sflag:s0] =	ssyncadd.s32 @!p0 $0xFFFFF890  }
0x27: {  	[bflag:$0x0] =	sbarrier.arrive $0xFFFF  }
0x28: {  	s18 =	simm.s32 $0x5;
	s17 =	rddreg [dreg:$0x6]  }
0x29: {  	[tilespmem:s5], [sflag:$0x5] =	stream.linear.gather [hbm4b:s17+s5], $0x2800, $0x38;
	[tilespmem:$0x153B8] =	vst v63  }
0x2a: {  	_ =	swait.ge [sflag:s18], $0x2800  }
0x2b: {  	s16 =	rddreg [dreg:$0x10]  }
0x2c: {  	s15 =	rddreg [dreg:$0xf]  }
0x2d: {  	s14 =	rddreg [dreg:$0xe]  }
0x2e: {  	s13 =	rddreg [dreg:$0xd]  }
0x2f: {  	s17 =	rddreg [dreg:$0xc]  }
0x30: {  	s2 =	rddreg [dreg:$0xb]  }
0x31: {  	[sflag:s18] =	ssyncset.done $0x0;
	s31 =	rddreg [dreg:$0xa]  }
0x32: {  	s8 =	simm.s32 $0x0;
	s30 =	rddreg [dreg:$0x9];
	[sflag:s18] =	ssyncadd.s32 $0xFFFFD800  }
.LBB2_2:
0x33: {  	s6 =	smul.u32 $0xA0, s8  }
0x34: {  	s0 =	rddreg [dreg:$0x5]  }
0x35: {  	s0 =	sadd.s32 s0, s6  }
0x36: {  	s0 =	sshll.u32 s0, $0x4  }
0x37: {  	s0 =	sadd.s32 s19, s0  }
0x38: {  	s1 =	simm.s32 $0x0;
	s4 =	simm.s32 $0x2800;
	s0 =	sadd.s32 $0x500, s0  }
0x39: {  	[tilespmem:s4], [sflag:$0x5] =	stream.linear.gather [hbm4b:s0+s1], $0x2800, $0x38;
	[tilespmem:$0x153B8] =	vst v63  }
0x3a: {  	s18 =	smov.u32 s19;
	s12 =	smov.u32 s17  }
0x3b: {  	[tilespmem:s21], [sflag:$0x1] =	stream.indirect.gather [spmem:s3], $0x80, s1, s20, $0xb8;
	[tilespmem:$0x153B8] =	vst v63  }
0x3c: {  	s11 =	smov.u32 s2;
	s10 =	smov.u32 s31;
	s9 =	smov.u32 s30  }
0x3d: {  	[tilespmem:s22], [sflag:$0x2] =	stream.indirect.gather [spmem:s3], $0x80, s20, s20, $0xb8;
	[tilespmem:$0x153B8] =	vst v63  }
.LBB2_3:
0x3e: {  	_ =	swait.ge [sflag:s23], $0x4000  }
0x3f: {  	p1 =	seq.s32 s1, $0x0;
	[sflag:s23] =	ssyncset.done $0x0  }
0x40: {  	s4 =	simm.s32 @!p1 $0x3;
	[sflag:s23] =	ssyncadd.s32 $0xFFFFC000  }
0x41: {  	[hbm4b:s12+s5] =	stream.linear.scatter [tilespmem:s21], [sflag:$0x1], $0x4000, $0x38;
	[tilespmem:$0x153B8] =	vst v63  }
0x42: {  	_ =	swait.ge @!p1 [sflag:s4], $0x4000  }
0x43: {  	s0 =	sshra.s32 s1, $0x2;
	[sflag:s4] =	ssyncset.done @!p1 $0x0  }
0x44: {  	s7 =	sadd.s32 $0x100, s0;
	[sflag:s4] =	ssyncadd.s32 @!p1 $0xFFFFC000  }
0x45: {  	[tilespmem:s24], [sflag:$0x3] =	stream.indirect.gather [spmem:s3], $0x80, s7, s20, $0xb8;
	[tilespmem:$0x153B8] =	vst v63  }
0x46: {  	_ =	swait.ge [sflag:s25], $0x4000  }
0x47: {  	[sflag:s25] =	ssyncset.done $0x0  }
0x48: {  	s4 =	simm.s32 @!p1 $0x4;
	[sflag:s25] =	ssyncadd.s32 $0xFFFFC000  }
0x49: {  	[hbm4b:s9+s5] =	stream.linear.scatter [tilespmem:s22], [sflag:$0x2], $0x4000, $0x38;
	[tilespmem:$0x153B8] =	vst v63  }
0x4a: {  	_ =	swait.ge @!p1 [sflag:s4], $0x4000  }
0x4b: {  	[sflag:s4] =	ssyncset.done @!p1 $0x0  }
0x4c: {  	s19 =	sadd.s32 $0x180, s0;
	[sflag:s4] =	ssyncadd.s32 @!p1 $0xFFFFC000  }
0x4d: {  	[tilespmem:s26], [sflag:$0x4] =	stream.indirect.gather [spmem:s3], $0x80, s19, s20, $0xb8;
	[tilespmem:$0x153B8] =	vst v63  }
0x4e: {  	_ =	swait.ge [sflag:s28], $0x4000  }
0x4f: {  	p1 =	seq.s32 s1, $0x9800;
	[sflag:s28] =	ssyncset.done $0x0  }
0x50: {  	s4 =	simm.s32 @!p1 $0x1;
	[sflag:s28] =	ssyncadd.s32 $0xFFFFC000  }
0x51: {  	[hbm4b:s11+s5] =	stream.linear.scatter [tilespmem:s24], [sflag:$0x3], $0x4000, $0x38;
	[tilespmem:$0x153B8] =	vst v63  }
0x52: {  	_ =	swait.ge @!p1 [sflag:s4], $0x4000  }
0x53: {  	[sflag:s4] =	ssyncset.done @!p1 $0x0  }
0x54: {  	[sflag:s4] =	ssyncadd.s32 @!p1 $0xFFFFC000;
	s4 =	sshra.s32 @!p1 s1, $0x2  }
0x55: {  	s7 =	simm.s32 @!p1 $0x80;
	s19 =	simm.s32 @!p1 $0x5000;
	s4 =	sadd.s32 @!p1 $0x200, s4  }
0x56: {  	[tilespmem:s19], [sflag:$0x1] =	stream.indirect.gather @!p1 [spmem:s3], $0x80, s4, s7, $0xb8;
	[tilespmem:$0x153B8] =	vst v63  }
.Ltmp2:
0x57: {  	_ = 	snop;
	(pc) =	sbr.rel @p1 .LBB2_5-.Ltmp2, $4  }
0x58: {  	_ =	swait.ge [sflag:s29], $0x4000  }
0x59: {  	[sflag:s29] =	ssyncset.done $0x0  }
0x5a: {  	[sflag:s29] =	ssyncadd.s32 $0xFFFFC000  }
0x5b: {  	[hbm4b:s10+s5] =	stream.linear.scatter [tilespmem:s26], [sflag:$0x4], $0x4000, $0x38;
	[tilespmem:$0x153B8] =	vst v63  }
.Ltmp3:
0x5c: {  	(pc) =	sbr.rel .LBB2_3-.Ltmp3, $4  }
0x5d: {  	_ =	swait.ge [sflag:s25], $0x4000;
	s0 =	sadd.s32 $0x280, s0;
	s1 =	sadd.s32 $0x800, s1  }
0x5e: {  	s9 =	sadd.s32 $0x2000, s9;
	s10 =	sadd.s32 $0x2000, s10;
	[sflag:s25] =	ssyncset.done $0x0  }
0x5f: {  	s11 =	sadd.s32 $0x2000, s11;
	s12 =	sadd.s32 $0x2000, s12;
	[sflag:s25] =	ssyncadd.s32 $0xFFFFC000  }
0x60: {  	[tilespmem:s22], [sflag:$0x2] =	stream.indirect.gather [spmem:s3], $0x80, s0, s20, $0xb8;
	[tilespmem:$0x153B8] =	vst v63  }
.LBB2_5:
0x61: {  	_ =	swait.ge [sflag:s23], $0x4000  }
0x62: {  	[sflag:s23] =	ssyncset.done $0x0  }
0x63: {  	[sflag:s23] =	ssyncadd.s32 $0xFFFFC000  }
0x64: {  	_ =	swait.ge [sflag:s25], $0x4000  }
0x65: {  	[sflag:s25] =	ssyncset.done $0x0  }
0x66: {  	[sflag:s25] =	ssyncadd.s32 $0xFFFFC000  }
0x67: {  	_ =	swait.ge [sflag:s28], $0x4000  }
0x68: {  	[sflag:s28] =	ssyncset.done $0x0  }
0x69: {  	[sflag:s28] =	ssyncadd.s32 $0xFFFFC000  }
0x6a: {  	_ =	swait.ge [sflag:s29], $0x4000  }
0x6b: {  	[sflag:s29] =	ssyncset.done $0x0  }
0x6c: {  	s1 =	simm.s32 $0x5;
	[sflag:s29] =	ssyncadd.s32 $0xFFFFC000  }
0x6d: {  	_ =	swait.ge [sflag:s1], $0x2800  }
0x6e: {  	p1 =	seq.s32 s8, $0x4;
	s0 =	rddreg [dreg:$0x7]  }
0x6f: {  	s19 =	smov.u32 s18;
	s0 =	sadd.s32 @!p1 s6, s0  }
0x70: {  	s12 =	simm.s32 $0x2800;
	[sflag:s1] =	ssyncset.done $0x0;
	s0 =	sshll.u32 @!p1 s0, $0x4  }
0x71: {  	[sflag:s1] =	ssyncadd.s32 $0xFFFFD800;
	s1 =	simm.s32 @!p1 $0x0;
	s0 =	sadd.s32 @!p1 s18, s0  }
0x72: {  	[tilespmem:s1], [sflag:$0x5] =	stream.linear.gather @!p1 [hbm4b:s0+s1], $0x2800, $0x38;
	[tilespmem:$0x153B8] =	vst v63  }
0x73: {  	s11 =	smov.u32 s15;
	s10 =	smov.u32 s14;
	s9 =	smov.u32 s13  }
0x74: {  	[tilespmem:s21], [sflag:$0x1] =	stream.indirect.gather [spmem:s3], $0x80, s12, s20, $0xb8;
	[tilespmem:$0x153B8] =	vst v63  }
0x75: {  	s6 =	smov.u32 s16;
	s18 =	simm.s32 $0x2880;
	s1 =	simm.s32 $0x0  }
0x76: {  	[tilespmem:s22], [sflag:$0x2] =	stream.indirect.gather [spmem:s3], $0x80, s18, s20, $0xb8;
	[tilespmem:$0x153B8] =	vst v63  }
.LBB2_6:
0x77: {  	_ =	swait.ge [sflag:s23], $0x4000  }
0x78: {  	p2 =	seq.s32 s1, $0x0;
	[sflag:s23] =	ssyncset.done $0x0  }
0x79: {  	s4 =	simm.s32 @!p2 $0x3;
	[sflag:s23] =	ssyncadd.s32 $0xFFFFC000  }
0x7a: {  	[hbm4b:s6+s5] =	stream.linear.scatter [tilespmem:s21], [sflag:$0x1], $0x4000, $0x38;
	[tilespmem:$0x153B8] =	vst v63  }
0x7b: {  	_ =	swait.ge @!p2 [sflag:s4], $0x4000  }
0x7c: {  	s0 =	sshra.s32 s1, $0x2;
	[sflag:s4] =	ssyncset.done @!p2 $0x0  }
0x7d: {  	s12 =	sadd.s32 $0x2900, s0;
	[sflag:s4] =	ssyncadd.s32 @!p2 $0xFFFFC000  }
0x7e: {  	[tilespmem:s24], [sflag:$0x3] =	stream.indirect.gather [spmem:s3], $0x80, s12, s20, $0xb8;
	[tilespmem:$0x153B8] =	vst v63  }
0x7f: {  	_ =	swait.ge [sflag:s25], $0x4000  }
0x80: {  	[sflag:s25] =	ssyncset.done $0x0  }
0x81: {  	s4 =	simm.s32 @!p2 $0x4;
	[sflag:s25] =	ssyncadd.s32 $0xFFFFC000  }
0x82: {  	[hbm4b:s9+s5] =	stream.linear.scatter [tilespmem:s22], [sflag:$0x2], $0x4000, $0x38;
	[tilespmem:$0x153B8] =	vst v63  }
0x83: {  	_ =	swait.ge @!p2 [sflag:s4], $0x4000  }
0x84: {  	[sflag:s4] =	ssyncset.done @!p2 $0x0  }
0x85: {  	s18 =	sadd.s32 $0x2980, s0;
	[sflag:s4] =	ssyncadd.s32 @!p2 $0xFFFFC000  }
0x86: {  	[tilespmem:s26], [sflag:$0x4] =	stream.indirect.gather [spmem:s3], $0x80, s18, s20, $0xb8;
	[tilespmem:$0x153B8] =	vst v63  }
0x87: {  	_ =	swait.ge [sflag:s28], $0x4000  }
0x88: {  	p2 =	seq.s32 s1, $0x9800;
	[sflag:s28] =	ssyncset.done $0x0  }
0x89: {  	s4 =	simm.s32 @!p2 $0x1;
	[sflag:s28] =	ssyncadd.s32 $0xFFFFC000  }
0x8a: {  	[hbm4b:s11+s5] =	stream.linear.scatter [tilespmem:s24], [sflag:$0x3], $0x4000, $0x38;
	[tilespmem:$0x153B8] =	vst v63  }
0x8b: {  	_ =	swait.ge @!p2 [sflag:s4], $0x4000  }
0x8c: {  	[sflag:s4] =	ssyncset.done @!p2 $0x0  }
0x8d: {  	[sflag:s4] =	ssyncadd.s32 @!p2 $0xFFFFC000;
	s4 =	sshra.s32 @!p2 s1, $0x2  }
0x8e: {  	s7 =	simm.s32 @!p2 $0x80;
	s12 =	simm.s32 @!p2 $0x5000;
	s4 =	sadd.s32 @!p2 $0x2A00, s4  }
0x8f: {  	[tilespmem:s12], [sflag:$0x1] =	stream.indirect.gather @!p2 [spmem:s3], $0x80, s4, s7, $0xb8;
	[tilespmem:$0x153B8] =	vst v63  }
.Ltmp4:
0x90: {  	_ = 	snop;
	(pc) =	sbr.rel @p2 .LBB2_8-.Ltmp4, $4  }
0x91: {  	_ =	swait.ge [sflag:s29], $0x4000  }
0x92: {  	[sflag:s29] =	ssyncset.done $0x0  }
0x93: {  	[sflag:s29] =	ssyncadd.s32 $0xFFFFC000  }
0x94: {  	[hbm4b:s10+s5] =	stream.linear.scatter [tilespmem:s26], [sflag:$0x4], $0x4000, $0x38;
	[tilespmem:$0x153B8] =	vst v63  }
.Ltmp5:
0x95: {  	(pc) =	sbr.rel .LBB2_6-.Ltmp5, $4  }
0x96: {  	_ =	swait.ge [sflag:s25], $0x4000;
	s0 =	sadd.s32 $0x2A80, s0;
	s1 =	sadd.s32 $0x800, s1  }
0x97: {  	s9 =	sadd.s32 $0x2000, s9;
	s10 =	sadd.s32 $0x2000, s10;
	[sflag:s25] =	ssyncset.done $0x0  }
0x98: {  	s11 =	sadd.s32 $0x2000, s11;
	s6 =	sadd.s32 $0x2000, s6;
	[sflag:s25] =	ssyncadd.s32 $0xFFFFC000  }
0x99: {  	[tilespmem:s22], [sflag:$0x2] =	stream.indirect.gather [spmem:s3], $0x80, s0, s20, $0xb8;
	[tilespmem:$0x153B8] =	vst v63  }
.LBB2_8:
0x9a: {  	_ =	swait.ge [sflag:s23], $0x4000  }
0x9b: {  	[sflag:s23] =	ssyncset.done $0x0  }
0x9c: {  	[sflag:s23] =	ssyncadd.s32 $0xFFFFC000  }
0x9d: {  	_ =	swait.ge [sflag:s25], $0x4000  }
0x9e: {  	[sflag:s25] =	ssyncset.done $0x0  }
0x9f: {  	[sflag:s25] =	ssyncadd.s32 $0xFFFFC000  }
0xa0: {  	_ =	swait.ge [sflag:s28], $0x4000  }
.Ltmp6:
0xa1: {  	[sflag:s28] =	ssyncset.done $0x0;
	(pc) =	sbr.rel @p1 .LBB2_10-.Ltmp6, $4  }
0xa2: {  	[sflag:s28] =	ssyncadd.s32 $0xFFFFC000  }
0xa3: {  	_ =	swait.ge [sflag:s29], $0x4000  }
0xa4: {  	[sflag:s29] =	ssyncset.done $0x0  }
0xa5: {  	[sflag:s29] =	ssyncadd.s32 $0xFFFFC000  }
.Ltmp7:
0xa6: {  	s0 =	simm.s32 $0x5;
	(pc) =	sbr.rel .LBB2_2-.Ltmp7, $4  }
0xa7: {  	s8 =	sadd.s32 $0x1, s8;
	s30 =	sadd.s32 $0x50000, s30;
	s31 =	sadd.s32 $0x50000, s31  }
0xa8: {  	s2 =	sadd.s32 $0x50000, s2;
	s17 =	sadd.s32 $0x50000, s17;
	_ =	swait.ge [sflag:s0], $0x2800  }
0xa9: {  	s13 =	sadd.s32 $0x50000, s13;
	s14 =	sadd.s32 $0x50000, s14;
	[sflag:s0] =	ssyncset.done $0x0  }
0xaa: {  	s15 =	sadd.s32 $0x50000, s15;
	s16 =	sadd.s32 $0x50000, s16;
	[sflag:s0] =	ssyncadd.s32 $0xFFFFD800  }
.LBB2_11:
0xab: {  	_ =	sfence.sel $0x180000  }
0xac: {  	[bflag:$0x0] =	sbarrier.arrive $0xFFFF  }
0xad: {  	_ =	strace $0x90000047  }
0xae: {  	[bflag:$0x2] =	sbarrier.arrive $0xFFFF  }
0xaf: {  	s0 =	rddreg [dreg:$0x4]  }
0xb0: {  	s0 =	sadd.s32 @!p0 $0x100000, s0  }
0xb1: {  	[sflag:s0] =	ssyncadd.tile.s32 @!p0 $0x1;
	_ =	shalt  }
.Lfunc_end2:
_tile_overlayer_lowered:
.L_overlay_start_2:
0xb2: {  	(tag) =	ssettag $0x2  }
0xb3: {  	s0 =	rddreg [dreg:$0x0];
	s2 =	stileid.u32  }
0xb4: {  	s1 =	rddreg [dreg:$0x1];
	p0 =	sne.s32 s2, $0x0  }
0xb5: {  	s3 =	rddreg [dreg:$0x2];
	[bflag:$0x3] =	sbarrier.arrive $0xFFFF;
	s2 =	simm.s32 @!p0 $0x1C06  }
0xb6: {  	[timem:s3], [sflag:s2] =	dma.local @!p0 [hbm:s0], s1  }
0xb7: {  	s0 =	simm.s32 @!p0 $0x6  }
0xb8: {  	_ =	swait.ge @!p0 [sflag:s0], s1  }
0xb9: {  	s1 =	ssub.s32 @!p0 $0x0, s1;
	[sflag:s0] =	ssyncset.done @!p0 $0x0  }
0xba: {  	[sflag:s0] =	ssyncadd.s32 @!p0 s1  }
0xbb: {  	[bflag:$0x3] =	sbarrier.arrive $0xFFFF  }
0xbc: {  	_ =	shalt  }

</sc_bundles>
